<compile_context>
chip_gen: v7x
topology: tpu7x:2x2x1
jax: 0.10.2.dev20260603
libtpu: 0.0.44.dev20260713+nightly
codegen_flags: <defaults>
</compile_context>

<pallas_src>
import functools

import jax
import jax.numpy as jnp
from jax import lax
from jax.experimental import pallas as pl
from jax.experimental.pallas import tpu as pltpu
from jax.experimental.pallas import tpu_sc as plsc

NC = 2
NS = 16
NW = NC * NS
L = 16
BATCH = 16384
NF = 32
BPW = BATCH // NW
WIN = 256
NWIN = BPW // WIN


def _body(user_hbm, item_hbm, uf_hbm, if_hbm, out_hbm,
          uidx_v, iidx_v, ustage, vstage, out_v, usem, vsem):
    wid = lax.axis_index("s") * NC + lax.axis_index("c")
    base = wid * BPW

    pltpu.sync_copy(user_hbm.at[pl.ds(base, BPW)], uidx_v)
    pltpu.sync_copy(item_hbm.at[pl.ds(base, BPW)], iidx_v)

    lane = lax.iota(jnp.int32, L)

    def window(w, carry):
        w0 = w * WIN

        def fire(k, c):
            uv = uidx_v[pl.ds(w0 + k * L, L)]
            iv = iidx_v[pl.ds(w0 + k * L, L)]
            for j in range(L):
                pltpu.async_copy(
                    uf_hbm.at[pl.ds(uv[j], 1)],
                    ustage.at[pl.ds(k * L + j, 1)], usem)
                pltpu.async_copy(
                    if_hbm.at[pl.ds(iv[j], 1)],
                    vstage.at[pl.ds(k * L + j, 1)], vsem)
            return c

        lax.fori_loop(0, WIN // L, fire, 0)

        pltpu.make_async_copy(
            uf_hbm.at[pl.ds(0, WIN)], ustage, usem).wait()
        pltpu.make_async_copy(
            if_hbm.at[pl.ds(0, WIN)], vstage, vsem).wait()

        def group(g, c):
            def elem(j, acc):
                b = g * L + j
                u0 = ustage[b, pl.ds(0, L)]
                u1 = ustage[b, pl.ds(L, L)]
                v0 = vstage[b, pl.ds(0, L)]
                v1 = vstage[b, pl.ds(L, L)]
                cc = u0 * v0 + u1 * v1
                s = jnp.sum(cc)
                return jnp.where(lane == j, s, acc)

            acc = lax.fori_loop(0, L, elem, jnp.zeros((L,), jnp.float32))
            out_v[pl.ds(w0 + g * L, L)] = acc
            return c

        lax.fori_loop(0, WIN // L, group, 0)
        return carry

    lax.fori_loop(0, NWIN, window, 0)
    pltpu.sync_copy(out_v, out_hbm.at[pl.ds(base, BPW)])


@jax.jit
def kernel(user, item, user_factors, item_factors):
    k = pl.kernel(
        _body,
        out_type=jax.ShapeDtypeStruct((BATCH,), jnp.float32),
        mesh=plsc.VectorSubcoreMesh(
            core_axis_name="c", subcore_axis_name="s",
            num_cores=NC, num_subcores=NS),
        compiler_params=pltpu.CompilerParams(
            needs_layout_passes=False, disable_bounds_checks=True),
        scratch_types=[
            pltpu.VMEM((BPW,), jnp.int32),
            pltpu.VMEM((BPW,), jnp.int32),
            pltpu.VMEM((WIN, NF), jnp.float32),
            pltpu.VMEM((WIN, NF), jnp.float32),
            pltpu.VMEM((BPW,), jnp.float32),
            pltpu.SemaphoreType.DMA,
            pltpu.SemaphoreType.DMA,
        ],
    )
    return k(user, item, user_factors, item_factors)

# --- scband reference (transcript-rebuilt; emitter-appended) ---
"""Pipeline reference for scband-recommendation-engine-1949915152758 (READ-ONLY COPY).

The authoritative reference and input builder live on the scoring server;
editing this copy changes nothing except your own understanding.
"""

import jax, jax.numpy as jnp
import numpy as np

N_USERS = 1000000
N_ITEMS = 1000000
N_FACTORS = 32
BATCH = 16384

def setup_inputs(seed: int = 0) -> dict:
    key = jax.random.key(seed)
    k1, k2, k3, k4 = jax.random.split(key, 4)
    user = jax.random.randint(k1, (BATCH,), 0, N_USERS, dtype=jnp.int64) if jax.config.jax_enable_x64 else jax.random.randint(k1, (BATCH,), 0, N_USERS).astype(jnp.int32)
    item = jax.random.randint(k2, (BATCH,), 0, N_ITEMS).astype(user.dtype)
    user_factors = jax.random.uniform(k3, (N_USERS, N_FACTORS), dtype=jnp.float32, minval=0.0, maxval=1.0)
    item_factors = jax.random.uniform(k4, (N_ITEMS, N_FACTORS), dtype=jnp.float32, minval=0.0, maxval=1.0)
    return {"user": user, "item": item, "user_factors": user_factors, "item_factors": item_factors}

def reference(user, item, user_factors, item_factors):
    # add_user_bias=False, add_product_bias=False -> _forward1
    u = jnp.take(user_factors, user, axis=0)
    v = jnp.take(item_factors, item, axis=0)
    return (u * v).sum(axis=1)

if __name__ == "__main__":
    import jax
    _d = setup_inputs()
    print(jax.jit(kernel)(*tuple(_d.values())))

</pallas_src>

<mosaic_0001>
#map = affine_map<(d0, d1) -> (0)>
#map1 = affine_map<(d0, d1) -> (0, 0)>
module attributes {stable_mosaic.version = 14 : i64} {
  func.func @_body(%arg0: i32, %arg1: i32, %arg2: memref<16384xi32, #tpu.memory_space<hbm>>, %arg3: memref<16384xi32, #tpu.memory_space<hbm>>, %arg4: memref<1000000x32xf32, #tpu.memory_space<hbm>>, %arg5: memref<1000000x32xf32, #tpu.memory_space<hbm>>, %arg6: memref<16384xf32, #tpu.memory_space<hbm>>, %arg7: memref<512xi32, #tpu.memory_space<vmem>>, %arg8: memref<512xi32, #tpu.memory_space<vmem>>, %arg9: memref<256x32xf32, #tpu.memory_space<vmem>>, %arg10: memref<256x32xf32, #tpu.memory_space<vmem>>, %arg11: memref<512xf32, #tpu.memory_space<vmem>>, %arg12: memref<!tpu.dma_semaphore, #tpu.memory_space<semaphore_mem>>, %arg13: memref<!tpu.dma_semaphore, #tpu.memory_space<semaphore_mem>>) attributes {dimension_semantics = [#tpu.dimension_semantics<core_parallel>, #tpu.dimension_semantics<subcore_parallel>], iteration_bounds = array<i64: 2, 16>, scalar_prefetch = 0 : i64, scratch_operands = 7 : i64, tpu.core_type = #tpu.core_type<sc_vector_subcore>, window_params = [{transform_indices = #map}, {transform_indices = #map}, {transform_indices = #map1}, {transform_indices = #map1}, {transform_indices = #map}]} {
    %mul3A = arith.constant 2 : i32
    %mul3A_0 = arith.muli %arg1, %mul3A : i32
    %add3A = arith.addi %mul3A_0, %arg0 : i32
    %mul3A_1 = arith.constant 512 : i32
    %mul3A_2 = arith.muli %add3A, %mul3A_1 : i32
    "tpu.region"() ({
      %run_scoped3A = tpu.sem_alloc : memref<!tpu.dma_semaphore, #tpu.memory_space<semaphore_mem>>
      %dma_start3A = tpu.memref_slice %arg2[%mul3A_2] : memref<16384xi32, #tpu.memory_space<hbm>> -> memref<512xi32, #tpu.memory_space<hbm>>
      %dma_start3A_8 = tpu.memref_slice %arg2[%mul3A_2] : memref<16384xi32, #tpu.memory_space<hbm>> -> memref<512xi32, #tpu.memory_space<hbm>>
      tpu.enqueue_dma source(%dma_start3A_8 : memref<512xi32, #tpu.memory_space<hbm>>) target(%arg7 : memref<512xi32, #tpu.memory_space<vmem>>) target_semaphore(%run_scoped3A : memref<!tpu.dma_semaphore, #tpu.memory_space<semaphore_mem>>)
      %dma_wait3A = tpu.memref_slice %arg2[%mul3A_2] : memref<16384xi32, #tpu.memory_space<hbm>> -> memref<512xi32, #tpu.memory_space<hbm>>
      %dma_wait3A_9 = tpu.memref_slice %arg2[%mul3A_2] : memref<16384xi32, #tpu.memory_space<hbm>> -> memref<512xi32, #tpu.memory_space<hbm>>
      tpu.wait_dma2 semaphore(%run_scoped3A : memref<!tpu.dma_semaphore, #tpu.memory_space<semaphore_mem>>) src(%dma_wait3A_9 : memref<512xi32, #tpu.memory_space<hbm>>) dst(%arg7 : memref<512xi32, #tpu.memory_space<vmem>>)
      tpu.yield
    }) : () -> ()
    "tpu.region"() ({
      %run_scoped3A = tpu.sem_alloc : memref<!tpu.dma_semaphore, #tpu.memory_space<semaphore_mem>>
      %dma_start3A = tpu.memref_slice %arg3[%mul3A_2] : memref<16384xi32, #tpu.memory_space<hbm>> -> memref<512xi32, #tpu.memory_space<hbm>>
      %dma_start3A_8 = tpu.memref_slice %arg3[%mul3A_2] : memref<16384xi32, #tpu.memory_space<hbm>> -> memref<512xi32, #tpu.memory_space<hbm>>
      tpu.enqueue_dma source(%dma_start3A_8 : memref<512xi32, #tpu.memory_space<hbm>>) target(%arg8 : memref<512xi32, #tpu.memory_space<vmem>>) target_semaphore(%run_scoped3A : memref<!tpu.dma_semaphore, #tpu.memory_space<semaphore_mem>>)
      %dma_wait3A = tpu.memref_slice %arg3[%mul3A_2] : memref<16384xi32, #tpu.memory_space<hbm>> -> memref<512xi32, #tpu.memory_space<hbm>>
      %dma_wait3A_9 = tpu.memref_slice %arg3[%mul3A_2] : memref<16384xi32, #tpu.memory_space<hbm>> -> memref<512xi32, #tpu.memory_space<hbm>>
      tpu.wait_dma2 semaphore(%run_scoped3A : memref<!tpu.dma_semaphore, #tpu.memory_space<semaphore_mem>>) src(%dma_wait3A_9 : memref<512xi32, #tpu.memory_space<hbm>>) dst(%arg8 : memref<512xi32, #tpu.memory_space<vmem>>)
      tpu.yield
    }) : () -> ()
    %iota3A = tpu.iota {dimensions = array<i32: 0>} : vector<16xi32>
    %scan3A = arith.constant 0 : i32
    %scan3A_3 = arith.constant 0 : i32
    %scan3A_4 = arith.constant 2 : i32
    %scan3A_5 = arith.addi %scan3A_3, %scan3A_4 : i32
    %scan3A_6 = arith.constant 1 : i32
    scf.for %scan3A_8 = %scan3A_3 to %scan3A_5 step %scan3A_6  : i32 {
      %mul3A_9 = arith.constant 256 : i32
      %mul3A_10 = arith.muli %scan3A_8, %mul3A_9 : i32
      %scan3A_11 = arith.constant 0 : i32
      %scan3A_12 = arith.constant 0 : i32
      %scan3A_13 = arith.constant 16 : i32
      %scan3A_14 = arith.addi %scan3A_12, %scan3A_13 : i32
      %scan3A_15 = arith.constant 1 : i32
      scf.for %scan3A_34 = %scan3A_12 to %scan3A_14 step %scan3A_15  : i32 {
        %mul3A_35 = arith.constant 16 : i32
        %mul3A_36 = arith.muli %scan3A_34, %mul3A_35 : i32
        %add3A_37 = arith.addi %mul3A_10, %mul3A_36 : i32
        %get3A = arith.index_cast %add3A_37 : i32 to index
        %get3A_38 = tpu.vector_load %arg7[%get3A] {strides = array<i32>} : memref<512xi32, #tpu.memory_space<vmem>>, vector<16xi32>,
        %mul3A_39 = arith.constant 16 : i32
        %mul3A_40 = arith.muli %scan3A_34, %mul3A_39 : i32
        %add3A_41 = arith.addi %mul3A_10, %mul3A_40 : i32
        %get3A_42 = arith.index_cast %add3A_41 : i32 to index
        %get3A_43 = tpu.vector_load %arg8[%get3A_42] {strides = array<i32>} : memref<512xi32, #tpu.memory_space<vmem>>, vector<16xi32>,
        %slice3A = vector.extract_strided_slice %get3A_38 {offsets = [0], sizes = [1], strides = [1]} : vector<16xi32> to vector<1xi32>
        %squeeze3A = vector.extract %slice3A[0] : i32 from vector<1xi32>
        %mul3A_44 = arith.constant 16 : i32
        %mul3A_45 = arith.muli %scan3A_34, %mul3A_44 : i32
        %add3A_46 = arith.constant 0 : i32
        %add3A_47 = arith.addi %mul3A_45, %add3A_46 : i32
        %dma_start3A = arith.constant 0 : i32
        %dma_start3A_48 = tpu.memref_slice %arg9[%add3A_47, %dma_start3A] : memref<256x32xf32, #tpu.memory_space<vmem>> -> memref<1x32xf32, #tpu.memory_space<vmem>>
        %dma_start3A_49 = arith.constant 0 : i32
        %dma_start3A_50 = tpu.memref_slice %arg4[%squeeze3A, %dma_start3A_49] : memref<1000000x32xf32, #tpu.memory_space<hbm>> -> memref<1x32xf32, #tpu.memory_space<hbm>>
        %dma_start3A_51 = arith.constant 0 : i32
        %dma_start3A_52 = tpu.memref_slice %arg9[%add3A_47, %dma_start3A_51] : memref<256x32xf32, #tpu.memory_space<vmem>> -> memref<1x32xf32, #tpu.memory_space<vmem>>
        %dma_start3A_53 = arith.constant 0 : i32
        %dma_start3A_54 = tpu.memref_slice %arg4[%squeeze3A, %dma_start3A_53] : memref<1000000x32xf32, #tpu.memory_space<hbm>> -> memref<1x32xf32, #tpu.memory_space<hbm>>
        tpu.enqueue_dma source(%dma_start3A_54 : memref<1x32xf32, #tpu.memory_space<hbm>>) target(%dma_start3A_52 : memref<1x32xf32, #tpu.memory_space<vmem>>) target_semaphore(%arg12 : memref<!tpu.dma_semaphore, #tpu.memory_space<semaphore_mem>>)
        %slice3A_55 = vector.extract_strided_slice %get3A_43 {offsets = [0], sizes = [1], strides = [1]} : vector<16xi32> to vector<1xi32>
        %squeeze3A_56 = vector.extract %slice3A_55[0] : i32 from vector<1xi32>
        %mul3A_57 = arith.constant 16 : i32
        %mul3A_58 = arith.muli %scan3A_34, %mul3A_57 : i32
        %add3A_59 = arith.constant 0 : i32
        %add3A_60 = arith.addi %mul3A_58, %add3A_59 : i32
        %dma_start3A_61 = arith.constant 0 : i32
        %dma_start3A_62 = tpu.memref_slice %arg10[%add3A_60, %dma_start3A_61] : memref<256x32xf32, #tpu.memory_space<vmem>> -> memref<1x32xf32, #tpu.memory_space<vmem>>
        %dma_start3A_63 = arith.constant 0 : i32
        %dma_start3A_64 = tpu.memref_slice %arg5[%squeeze3A_56, %dma_start3A_63] : memref<1000000x32xf32, #tpu.memory_space<hbm>> -> memref<1x32xf32, #tpu.memory_space<hbm>>
        %dma_start3A_65 = arith.constant 0 : i32
        %dma_start3A_66 = tpu.memref_slice %arg10[%add3A_60, %dma_start3A_65] : memref<256x32xf32, #tpu.memory_space<vmem>> -> memref<1x32xf32, #tpu.memory_space<vmem>>
        %dma_start3A_67 = arith.constant 0 : i32
        %dma_start3A_68 = tpu.memref_slice %arg5[%squeeze3A_56, %dma_start3A_67] : memref<1000000x32xf32, #tpu.memory_space<hbm>> -> memref<1x32xf32, #tpu.memory_space<hbm>>
        tpu.enqueue_dma source(%dma_start3A_68 : memref<1x32xf32, #tpu.memory_space<hbm>>) target(%dma_start3A_66 : memref<1x32xf32, #tpu.memory_space<vmem>>) target_semaphore(%arg13 : memref<!tpu.dma_semaphore, #tpu.memory_space<semaphore_mem>>)
        %slice3A_69 = vector.extract_strided_slice %get3A_38 {offsets = [1], sizes = [1], strides = [1]} : vector<16xi32> to vector<1xi32>
        %squeeze3A_70 = vector.extract %slice3A_69[0] : i32 from vector<1xi32>
        %mul3A_71 = arith.constant 16 : i32
        %mul3A_72 = arith.muli %scan3A_34, %mul3A_71 : i32
        %add3A_73 = arith.constant 1 : i32
        %add3A_74 = arith.addi %mul3A_72, %add3A_73 : i32
        %dma_start3A_75 = arith.constant 0 : i32
        %dma_start3A_76 = tpu.memref_slice %arg9[%add3A_74, %dma_start3A_75] : memref<256x32xf32, #tpu.memory_space<vmem>> -> memref<1x32xf32, #tpu.memory_space<vmem>>
        %dma_start3A_77 = arith.constant 0 : i32
        %dma_start3A_78 = tpu.memref_slice %arg4[%squeeze3A_70, %dma_start3A_77] : memref<1000000x32xf32, #tpu.memory_space<hbm>> -> memref<1x32xf32, #tpu.memory_space<hbm>>
        %dma_start3A_79 = arith.constant 0 : i32
        %dma_start3A_80 = tpu.memref_slice %arg9[%add3A_74, %dma_start3A_79] : memref<256x32xf32, #tpu.memory_space<vmem>> -> memref<1x32xf32, #tpu.memory_space<vmem>>
        %dma_start3A_81 = arith.constant 0 : i32
        %dma_start3A_82 = tpu.memref_slice %arg4[%squeeze3A_70, %dma_start3A_81] : memref<1000000x32xf32, #tpu.memory_space<hbm>> -> memref<1x32xf32, #tpu.memory_space<hbm>>
        tpu.enqueue_dma source(%dma_start3A_82 : memref<1x32xf32, #tpu.memory_space<hbm>>) target(%dma_start3A_80 : memref<1x32xf32, #tpu.memory_space<vmem>>) target_semaphore(%arg12 : memref<!tpu.dma_semaphore, #tpu.memory_space<semaphore_mem>>)
        %slice3A_83 = vector.extract_strided_slice %get3A_43 {offsets = [1], sizes = [1], strides = [1]} : vector<16xi32> to vector<1xi32>
        %squeeze3A_84 = vector.extract %slice3A_83[0] : i32 from vector<1xi32>
        %mul3A_85 = arith.constant 16 : i32
        %mul3A_86 = arith.muli %scan3A_34, %mul3A_85 : i32
        %add3A_87 = arith.constant 1 : i32
        %add3A_88 = arith.addi %mul3A_86, %add3A_87 : i32
        %dma_start3A_89 = arith.constant 0 : i32
        %dma_start3A_90 = tpu.memref_slice %arg10[%add3A_88, %dma_start3A_89] : memref<256x32xf32, #tpu.memory_space<vmem>> -> memref<1x32xf32, #tpu.memory_space<vmem>>
        %dma_start3A_91 = arith.constant 0 : i32
        %dma_start3A_92 = tpu.memref_slice %arg5[%squeeze3A_84, %dma_start3A_91] : memref<1000000x32xf32, #tpu.memory_space<hbm>> -> memref<1x32xf32, #tpu.memory_space<hbm>>
        %dma_start3A_93 = arith.constant 0 : i32
        %dma_start3A_94 = tpu.memref_slice %arg10[%add3A_88, %dma_start3A_93] : memref<256x32xf32, #tpu.memory_space<vmem>> -> memref<1x32xf32, #tpu.memory_space<vmem>>
        %dma_start3A_95 = arith.constant 0 : i32
        %dma_start3A_96 = tpu.memref_slice %arg5[%squeeze3A_84, %dma_start3A_95] : memref<1000000x32xf32, #tpu.memory_space<hbm>> -> memref<1x32xf32, #tpu.memory_space<hbm>>
        tpu.enqueue_dma source(%dma_start3A_96 : memref<1x32xf32, #tpu.memory_space<hbm>>) target(%dma_start3A_94 : memref<1x32xf32, #tpu.memory_space<vmem>>) target_semaphore(%arg13 : memref<!tpu.dma_semaphore, #tpu.memory_space<semaphore_mem>>)
        %slice3A_97 = vector.extract_strided_slice %get3A_38 {offsets = [2], sizes = [1], strides = [1]} : vector<16xi32> to vector<1xi32>
        %squeeze3A_98 = vector.extract %slice3A_97[0] : i32 from vector<1xi32>
        %mul3A_99 = arith.constant 16 : i32
        %mul3A_100 = arith.muli %scan3A_34, %mul3A_99 : i32
        %add3A_101 = arith.constant 2 : i32
        %add3A_102 = arith.addi %mul3A_100, %add3A_101 : i32
        %dma_start3A_103 = arith.constant 0 : i32
        %dma_start3A_104 = tpu.memref_slice %arg9[%add3A_102, %dma_start3A_103] : memref<256x32xf32, #tpu.memory_space<vmem>> -> memref<1x32xf32, #tpu.memory_space<vmem>>
        %dma_start3A_105 = arith.constant 0 : i32
        %dma_start3A_106 = tpu.memref_slice %arg4[%squeeze3A_98, %dma_start3A_105] : memref<1000000x32xf32, #tpu.memory_space<hbm>> -> memref<1x32xf32, #tpu.memory_space<hbm>>
        %dma_start3A_107 = arith.constant 0 : i32
        %dma_start3A_108 = tpu.memref_slice %arg9[%add3A_102, %dma_start3A_107] : memref<256x32xf32, #tpu.memory_space<vmem>> -> memref<1x32xf32, #tpu.memory_space<vmem>>
        %dma_start3A_109 = arith.constant 0 : i32
        %dma_start3A_110 = tpu.memref_slice %arg4[%squeeze3A_98, %dma_start3A_109] : memref<1000000x32xf32, #tpu.memory_space<hbm>> -> memref<1x32xf32, #tpu.memory_space<hbm>>
        tpu.enqueue_dma source(%dma_start3A_110 : memref<1x32xf32, #tpu.memory_space<hbm>>) target(%dma_start3A_108 : memref<1x32xf32, #tpu.memory_space<vmem>>) target_semaphore(%arg12 : memref<!tpu.dma_semaphore, #tpu.memory_space<semaphore_mem>>)
        %slice3A_111 = vector.extract_strided_slice %get3A_43 {offsets = [2], sizes = [1], strides = [1]} : vector<16xi32> to vector<1xi32>
        %squeeze3A_112 = vector.extract %slice3A_111[0] : i32 from vector<1xi32>
        %mul3A_113 = arith.constant 16 : i32
        %mul3A_114 = arith.muli %scan3A_34, %mul3A_113 : i32
        %add3A_115 = arith.constant 2 : i32
        %add3A_116 = arith.addi %mul3A_114, %add3A_115 : i32
        %dma_start3A_117 = arith.constant 0 : i32
        %dma_start3A_118 = tpu.memref_slice %arg10[%add3A_116, %dma_start3A_117] : memref<256x32xf32, #tpu.memory_space<vmem>> -> memref<1x32xf32, #tpu.memory_space<vmem>>
        %dma_start3A_119 = arith.constant 0 : i32
        %dma_start3A_120 = tpu.memref_slice %arg5[%squeeze3A_112, %dma_start3A_119] : memref<1000000x32xf32, #tpu.memory_space<hbm>> -> memref<1x32xf32, #tpu.memory_space<hbm>>
        %dma_start3A_121 = arith.constant 0 : i32
        %dma_start3A_122 = tpu.memref_slice %arg10[%add3A_116, %dma_start3A_121] : memref<256x32xf32, #tpu.memory_space<vmem>> -> memref<1x32xf32, #tpu.memory_space<vmem>>
        %dma_start3A_123 = arith.constant 0 : i32
        %dma_start3A_124 = tpu.memref_slice %arg5[%squeeze3A_112, %dma_start3A_123] : memref<1000000x32xf32, #tpu.memory_space<hbm>> -> memref<1x32xf32, #tpu.memory_space<hbm>>
        tpu.enqueue_dma source(%dma_start3A_124 : memref<1x32xf32, #tpu.memory_space<hbm>>) target(%dma_start3A_122 : memref<1x32xf32, #tpu.memory_space<vmem>>) target_semaphore(%arg13 : memref<!tpu.dma_semaphore, #tpu.memory_space<semaphore_mem>>)
        %slice3A_125 = vector.extract_strided_slice %get3A_38 {offsets = [3], sizes = [1], strides = [1]} : vector<16xi32> to vector<1xi32>
        %squeeze3A_126 = vector.extract %slice3A_125[0] : i32 from vector<1xi32>
        %mul3A_127 = arith.constant 16 : i32
        %mul3A_128 = arith.muli %scan3A_34, %mul3A_127 : i32
        %add3A_129 = arith.constant 3 : i32
        %add3A_130 = arith.addi %mul3A_128, %add3A_129 : i32
        %dma_start3A_131 = arith.constant 0 : i32
        %dma_start3A_132 = tpu.memref_slice %arg9[%add3A_130, %dma_start3A_131] : memref<256x32xf32, #tpu.memory_space<vmem>> -> memref<1x32xf32, #tpu.memory_space<vmem>>
        %dma_start3A_133 = arith.constant 0 : i32
        %dma_start3A_134 = tpu.memref_slice %arg4[%squeeze3A_126, %dma_start3A_133] : memref<1000000x32xf32, #tpu.memory_space<hbm>> -> memref<1x32xf32, #tpu.memory_space<hbm>>
        %dma_start3A_135 = arith.constant 0 : i32
        %dma_start3A_136 = tpu.memref_slice %arg9[%add3A_130, %dma_start3A_135] : memref<256x32xf32, #tpu.memory_space<vmem>> -> memref<1x32xf32, #tpu.memory_space<vmem>>
        %dma_start3A_137 = arith.constant 0 : i32
        %dma_start3A_138 = tpu.memref_slice %arg4[%squeeze3A_126, %dma_start3A_137] : memref<1000000x32xf32, #tpu.memory_space<hbm>> -> memref<1x32xf32, #tpu.memory_space<hbm>>
        tpu.enqueue_dma source(%dma_start3A_138 : memref<1x32xf32, #tpu.memory_space<hbm>>) target(%dma_start3A_136 : memref<1x32xf32, #tpu.memory_space<vmem>>) target_semaphore(%arg12 : memref<!tpu.dma_semaphore, #tpu.memory_space<semaphore_mem>>)
        %slice3A_139 = vector.extract_strided_slice %get3A_43 {offsets = [3], sizes = [1], strides = [1]} : vector<16xi32> to vector<1xi32>
        %squeeze3A_140 = vector.extract %slice3A_139[0] : i32 from vector<1xi32>
        %mul3A_141 = arith.constant 16 : i32
        %mul3A_142 = arith.muli %scan3A_34, %mul3A_141 : i32
        %add3A_143 = arith.constant 3 : i32
        %add3A_144 = arith.addi %mul3A_142, %add3A_143 : i32
        %dma_start3A_145 = arith.constant 0 : i32
        %dma_start3A_146 = tpu.memref_slice %arg10[%add3A_144, %dma_start3A_145] : memref<256x32xf32, #tpu.memory_space<vmem>> -> memref<1x32xf32, #tpu.memory_space<vmem>>
        %dma_start3A_147 = arith.constant 0 : i32
        %dma_start3A_148 = tpu.memref_slice %arg5[%squeeze3A_140, %dma_start3A_147] : memref<1000000x32xf32, #tpu.memory_space<hbm>> -> memref<1x32xf32, #tpu.memory_space<hbm>>
        %dma_start3A_149 = arith.constant 0 : i32
        %dma_start3A_150 = tpu.memref_slice %arg10[%add3A_144, %dma_start3A_149] : memref<256x32xf32, #tpu.memory_space<vmem>> -> memref<1x32xf32, #tpu.memory_space<vmem>>
        %dma_start3A_151 = arith.constant 0 : i32
        %dma_start3A_152 = tpu.memref_slice %arg5[%squeeze3A_140, %dma_start3A_151] : memref<1000000x32xf32, #tpu.memory_space<hbm>> -> memref<1x32xf32, #tpu.memory_space<hbm>>
        tpu.enqueue_dma source(%dma_start3A_152 : memref<1x32xf32, #tpu.memory_space<hbm>>) target(%dma_start3A_150 : memref<1x32xf32, #tpu.memory_space<vmem>>) target_semaphore(%arg13 : memref<!tpu.dma_semaphore, #tpu.memory_space<semaphore_mem>>)
        %slice3A_153 = vector.extract_strided_slice %get3A_38 {offsets = [4], sizes = [1], strides = [1]} : vector<16xi32> to vector<1xi32>
        %squeeze3A_154 = vector.extract %slice3A_153[0] : i32 from vector<1xi32>
        %mul3A_155 = arith.constant 16 : i32
        %mul3A_156 = arith.muli %scan3A_34, %mul3A_155 : i32
        %add3A_157 = arith.constant 4 : i32
        %add3A_158 = arith.addi %mul3A_156, %add3A_157 : i32
        %dma_start3A_159 = arith.constant 0 : i32
        %dma_start3A_160 = tpu.memref_slice %arg9[%add3A_158, %dma_start3A_159] : memref<256x32xf32, #tpu.memory_space<vmem>> -> memref<1x32xf32, #tpu.memory_space<vmem>>
        %dma_start3A_161 = arith.constant 0 : i32
        %dma_start3A_162 = tpu.memref_slice %arg4[%squeeze3A_154, %dma_start3A_161] : memref<1000000x32xf32, #tpu.memory_space<hbm>> -> memref<1x32xf32, #tpu.memory_space<hbm>>
        %dma_start3A_163 = arith.constant 0 : i32
        %dma_start3A_164 = tpu.memref_slice %arg9[%add3A_158, %dma_start3A_163] : memref<256x32xf32, #tpu.memory_space<vmem>> -> memref<1x32xf32, #tpu.memory_space<vmem>>
        %dma_start3A_165 = arith.constant 0 : i32
        %dma_start3A_166 = tpu.memref_slice %arg4[%squeeze3A_154, %dma_start3A_165] : memref<1000000x32xf32, #tpu.memory_space<hbm>> -> memref<1x32xf32, #tpu.memory_space<hbm>>
        tpu.enqueue_dma source(%dma_start3A_166 : memref<1x32xf32, #tpu.memory_space<hbm>>) target(%dma_start3A_164 : memref<1x32xf32, #tpu.memory_space<vmem>>) target_semaphore(%arg12 : memref<!tpu.dma_semaphore, #tpu.memory_space<semaphore_mem>>)
        %slice3A_167 = vector.extract_strided_slice %get3A_43 {offsets = [4], sizes = [1], strides = [1]} : vector<16xi32> to vector<1xi32>
        %squeeze3A_168 = vector.extract %slice3A_167[0] : i32 from vector<1xi32>
        %mul3A_169 = arith.constant 16 : i32
        %mul3A_170 = arith.muli %scan3A_34, %mul3A_169 : i32
        %add3A_171 = arith.constant 4 : i32
        %add3A_172 = arith.addi %mul3A_170, %add3A_171 : i32
        %dma_start3A_173 = arith.constant 0 : i32
        %dma_start3A_174 = tpu.memref_slice %arg10[%add3A_172, %dma_start3A_173] : memref<256x32xf32, #tpu.memory_space<vmem>> -> memref<1x32xf32, #tpu.memory_space<vmem>>
        %dma_start3A_175 = arith.constant 0 : i32
        %dma_start3A_176 = tpu.memref_slice %arg5[%squeeze3A_168, %dma_start3A_175] : memref<1000000x32xf32, #tpu.memory_space<hbm>> -> memref<1x32xf32, #tpu.memory_space<hbm>>
        %dma_start3A_177 = arith.constant 0 : i32
        %dma_start3A_178 = tpu.memref_slice %arg10[%add3A_172, %dma_start3A_177] : memref<256x32xf32, #tpu.memory_space<vmem>> -> memref<1x32xf32, #tpu.memory_space<vmem>>
        %dma_start3A_179 = arith.constant 0 : i32
        %dma_start3A_180 = tpu.memref_slice %arg5[%squeeze3A_168, %dma_start3A_179] : memref<1000000x32xf32, #tpu.memory_space<hbm>> -> memref<1x32xf32, #tpu.memory_space<hbm>>
        tpu.enqueue_dma source(%dma_start3A_180 : memref<1x32xf32, #tpu.memory_space<hbm>>) target(%dma_start3A_178 : memref<1x32xf32, #tpu.memory_space<vmem>>) target_semaphore(%arg13 : memref<!tpu.dma_semaphore, #tpu.memory_space<semaphore_mem>>)
        %slice3A_181 = vector.extract_strided_slice %get3A_38 {offsets = [5], sizes = [1], strides = [1]} : vector<16xi32> to vector<1xi32>
        %squeeze3A_182 = vector.extract %slice3A_181[0] : i32 from vector<1xi32>
        %mul3A_183 = arith.constant 16 : i32
        %mul3A_184 = arith.muli %scan3A_34, %mul3A_183 : i32
        %add3A_185 = arith.constant 5 : i32
        %add3A_186 = arith.addi %mul3A_184, %add3A_185 : i32
        %dma_start3A_187 = arith.constant 0 : i32
        %dma_start3A_188 = tpu.memref_slice %arg9[%add3A_186, %dma_start3A_187] : memref<256x32xf32, #tpu.memory_space<vmem>> -> memref<1x32xf32, #tpu.memory_space<vmem>>
        %dma_start3A_189 = arith.constant 0 : i32
        %dma_start3A_190 = tpu.memref_slice %arg4[%squeeze3A_182, %dma_start3A_189] : memref<1000000x32xf32, #tpu.memory_space<hbm>> -> memref<1x32xf32, #tpu.memory_space<hbm>>
        %dma_start3A_191 = arith.constant 0 : i32
        %dma_start3A_192 = tpu.memref_slice %arg9[%add3A_186, %dma_start3A_191] : memref<256x32xf32, #tpu.memory_space<vmem>> -> memref<1x32xf32, #tpu.memory_space<vmem>>
        %dma_start3A_193 = arith.constant 0 : i32
        %dma_start3A_194 = tpu.memref_slice %arg4[%squeeze3A_182, %dma_start3A_193] : memref<1000000x32xf32, #tpu.memory_space<hbm>> -> memref<1x32xf32, #tpu.memory_space<hbm>>
        tpu.enqueue_dma source(%dma_start3A_194 : memref<1x32xf32, #tpu.memory_space<hbm>>) target(%dma_start3A_192 : memref<1x32xf32, #tpu.memory_space<vmem>>) target_semaphore(%arg12 : memref<!tpu.dma_semaphore, #tpu.memory_space<semaphore_mem>>)
        %slice3A_195 = vector.extract_strided_slice %get3A_43 {offsets = [5], sizes = [1], strides = [1]} : vector<16xi32> to vector<1xi32>
        %squeeze3A_196 = vector.extract %slice3A_195[0] : i32 from vector<1xi32>
        %mul3A_197 = arith.constant 16 : i32
        %mul3A_198 = arith.muli %scan3A_34, %mul3A_197 : i32
        %add3A_199 = arith.constant 5 : i32
        %add3A_200 = arith.addi %mul3A_198, %add3A_199 : i32
        %dma_start3A_201 = arith.constant 0 : i32
        %dma_start3A_202 = tpu.memref_slice %arg10[%add3A_200, %dma_start3A_201] : memref<256x32xf32, #tpu.memory_space<vmem>> -> memref<1x32xf32, #tpu.memory_space<vmem>>
        %dma_start3A_203 = arith.constant 0 : i32
        %dma_start3A_204 = tpu.memref_slice %arg5[%squeeze3A_196, %dma_start3A_203] : memref<1000000x32xf32, #tpu.memory_space<hbm>> -> memref<1x32xf32, #tpu.memory_space<hbm>>
        %dma_start3A_205 = arith.constant 0 : i32
        %dma_start3A_206 = tpu.memref_slice %arg10[%add3A_200, %dma_start3A_205] : memref<256x32xf32, #tpu.memory_space<vmem>> -> memref<1x32xf32, #tpu.memory_space<vmem>>
        %dma_start3A_207 = arith.constant 0 : i32
        %dma_start3A_208 = tpu.memref_slice %arg5[%squeeze3A_196, %dma_start3A_207] : memref<1000000x32xf32, #tpu.memory_space<hbm>> -> memref<1x32xf32, #tpu.memory_space<hbm>>
        tpu.enqueue_dma source(%dma_start3A_208 : memref<1x32xf32, #tpu.memory_space<hbm>>) target(%dma_start3A_206 : memref<1x32xf32, #tpu.memory_space<vmem>>) target_semaphore(%arg13 : memref<!tpu.dma_semaphore, #tpu.memory_space<semaphore_mem>>)
        %slice3A_209 = vector.extract_strided_slice %get3A_38 {offsets = [6], sizes = [1], strides = [1]} : vector<16xi32> to vector<1xi32>
        %squeeze3A_210 = vector.extract %slice3A_209[0] : i32 from vector<1xi32>
        %mul3A_211 = arith.constant 16 : i32
        %mul3A_212 = arith.muli %scan3A_34, %mul3A_211 : i32
        %add3A_213 = arith.constant 6 : i32
        %add3A_214 = arith.addi %mul3A_212, %add3A_213 : i32
        %dma_start3A_215 = arith.constant 0 : i32
        %dma_start3A_216 = tpu.memref_slice %arg9[%add3A_214, %dma_start3A_215] : memref<256x32xf32, #tpu.memory_space<vmem>> -> memref<1x32xf32, #tpu.memory_space<vmem>>
        %dma_start3A_217 = arith.constant 0 : i32
        %dma_start3A_218 = tpu.memref_slice %arg4[%squeeze3A_210, %dma_start3A_217] : memref<1000000x32xf32, #tpu.memory_space<hbm>> -> memref<1x32xf32, #tpu.memory_space<hbm>>
        %dma_start3A_219 = arith.constant 0 : i32
        %dma_start3A_220 = tpu.memref_slice %arg9[%add3A_214, %dma_start3A_219] : memref<256x32xf32, #tpu.memory_space<vmem>> -> memref<1x32xf32, #tpu.memory_space<vmem>>
        %dma_start3A_221 = arith.constant 0 : i32
        %dma_start3A_222 = tpu.memref_slice %arg4[%squeeze3A_210, %dma_start3A_221] : memref<1000000x32xf32, #tpu.memory_space<hbm>> -> memref<1x32xf32, #tpu.memory_space<hbm>>
        tpu.enqueue_dma source(%dma_start3A_222 : memref<1x32xf32, #tpu.memory_space<hbm>>) target(%dma_start3A_220 : memref<1x32xf32, #tpu.memory_space<vmem>>) target_semaphore(%arg12 : memref<!tpu.dma_semaphore, #tpu.memory_space<semaphore_mem>>)
        %slice3A_223 = vector.extract_strided_slice %get3A_43 {offsets = [6], sizes = [1], strides = [1]} : vector<16xi32> to vector<1xi32>
        %squeeze3A_224 = vector.extract %slice3A_223[0] : i32 from vector<1xi32>
        %mul3A_225 = arith.constant 16 : i32
        %mul3A_226 = arith.muli %scan3A_34, %mul3A_225 : i32
        %add3A_227 = arith.constant 6 : i32
        %add3A_228 = arith.addi %mul3A_226, %add3A_227 : i32
        %dma_start3A_229 = arith.constant 0 : i32
        %dma_start3A_230 = tpu.memref_slice %arg10[%add3A_228, %dma_start3A_229] : memref<256x32xf32, #tpu.memory_space<vmem>> -> memref<1x32xf32, #tpu.memory_space<vmem>>
        %dma_start3A_231 = arith.constant 0 : i32
        %dma_start3A_232 = tpu.memref_slice %arg5[%squeeze3A_224, %dma_start3A_231] : memref<1000000x32xf32, #tpu.memory_space<hbm>> -> memref<1x32xf32, #tpu.memory_space<hbm>>
        %dma_start3A_233 = arith.constant 0 : i32
        %dma_start3A_234 = tpu.memref_slice %arg10[%add3A_228, %dma_start3A_233] : memref<256x32xf32, #tpu.memory_space<vmem>> -> memref<1x32xf32, #tpu.memory_space<vmem>>
        %dma_start3A_235 = arith.constant 0 : i32
        %dma_start3A_236 = tpu.memref_slice %arg5[%squeeze3A_224, %dma_start3A_235] : memref<1000000x32xf32, #tpu.memory_space<hbm>> -> memref<1x32xf32, #tpu.memory_space<hbm>>
        tpu.enqueue_dma source(%dma_start3A_236 : memref<1x32xf32, #tpu.memory_space<hbm>>) target(%dma_start3A_234 : memref<1x32xf32, #tpu.memory_space<vmem>>) target_semaphore(%arg13 : memref<!tpu.dma_semaphore, #tpu.memory_space<semaphore_mem>>)
        %slice3A_237 = vector.extract_strided_slice %get3A_38 {offsets = [7], sizes = [1], strides = [1]} : vector<16xi32> to vector<1xi32>
        %squeeze3A_238 = vector.extract %slice3A_237[0] : i32 from vector<1xi32>
        %mul3A_239 = arith.constant 16 : i32
        %mul3A_240 = arith.muli %scan3A_34, %mul3A_239 : i32
        %add3A_241 = arith.constant 7 : i32
        %add3A_242 = arith.addi %mul3A_240, %add3A_241 : i32
        %dma_start3A_243 = arith.constant 0 : i32
        %dma_start3A_244 = tpu.memref_slice %arg9[%add3A_242, %dma_start3A_243] : memref<256x32xf32, #tpu.memory_space<vmem>> -> memref<1x32xf32, #tpu.memory_space<vmem>>
        %dma_start3A_245 = arith.constant 0 : i32
        %dma_start3A_246 = tpu.memref_slice %arg4[%squeeze3A_238, %dma_start3A_245] : memref<1000000x32xf32, #tpu.memory_space<hbm>> -> memref<1x32xf32, #tpu.memory_space<hbm>>
        %dma_start3A_247 = arith.constant 0 : i32
        %dma_start3A_248 = tpu.memref_slice %arg9[%add3A_242, %dma_start3A_247] : memref<256x32xf32, #tpu.memory_space<vmem>> -> memref<1x32xf32, #tpu.memory_space<vmem>>
        %dma_start3A_249 = arith.constant 0 : i32
        %dma_start3A_250 = tpu.memref_slice %arg4[%squeeze3A_238, %dma_start3A_249] : memref<1000000x32xf32, #tpu.memory_space<hbm>> -> memref<1x32xf32, #tpu.memory_space<hbm>>
        tpu.enqueue_dma source(%dma_start3A_250 : memref<1x32xf32, #tpu.memory_space<hbm>>) target(%dma_start3A_248 : memref<1x32xf32, #tpu.memory_space<vmem>>) target_semaphore(%arg12 : memref<!tpu.dma_semaphore, #tpu.memory_space<semaphore_mem>>)
        %slice3A_251 = vector.extract_strided_slice %get3A_43 {offsets = [7], sizes = [1], strides = [1]} : vector<16xi32> to vector<1xi32>
        %squeeze3A_252 = vector.extract %slice3A_251[0] : i32 from vector<1xi32>
        %mul3A_253 = arith.constant 16 : i32
        %mul3A_254 = arith.muli %scan3A_34, %mul3A_253 : i32
        %add3A_255 = arith.constant 7 : i32
        %add3A_256 = arith.addi %mul3A_254, %add3A_255 : i32
        %dma_start3A_257 = arith.constant 0 : i32
        %dma_start3A_258 = tpu.memref_slice %arg10[%add3A_256, %dma_start3A_257] : memref<256x32xf32, #tpu.memory_space<vmem>> -> memref<1x32xf32, #tpu.memory_space<vmem>>
        %dma_start3A_259 = arith.constant 0 : i32
        %dma_start3A_260 = tpu.memref_slice %arg5[%squeeze3A_252, %dma_start3A_259] : memref<1000000x32xf32, #tpu.memory_space<hbm>> -> memref<1x32xf32, #tpu.memory_space<hbm>>
        %dma_start3A_261 = arith.constant 0 : i32
        %dma_start3A_262 = tpu.memref_slice %arg10[%add3A_256, %dma_start3A_261] : memref<256x32xf32, #tpu.memory_space<vmem>> -> memref<1x32xf32, #tpu.memory_space<vmem>>
        %dma_start3A_263 = arith.constant 0 : i32
        %dma_start3A_264 = tpu.memref_slice %arg5[%squeeze3A_252, %dma_start3A_263] : memref<1000000x32xf32, #tpu.memory_space<hbm>> -> memref<1x32xf32, #tpu.memory_space<hbm>>
        tpu.enqueue_dma source(%dma_start3A_264 : memref<1x32xf32, #tpu.memory_space<hbm>>) target(%dma_start3A_262 : memref<1x32xf32, #tpu.memory_space<vmem>>) target_semaphore(%arg13 : memref<!tpu.dma_semaphore, #tpu.memory_space<semaphore_mem>>)
        %slice3A_265 = vector.extract_strided_slice %get3A_38 {offsets = [8], sizes = [1], strides = [1]} : vector<16xi32> to vector<1xi32>
        %squeeze3A_266 = vector.extract %slice3A_265[0] : i32 from vector<1xi32>
        %mul3A_267 = arith.constant 16 : i32
        %mul3A_268 = arith.muli %scan3A_34, %mul3A_267 : i32
        %add3A_269 = arith.constant 8 : i32
        %add3A_270 = arith.addi %mul3A_268, %add3A_269 : i32
        %dma_start3A_271 = arith.constant 0 : i32
        %dma_start3A_272 = tpu.memref_slice %arg9[%add3A_270, %dma_start3A_271] : memref<256x32xf32, #tpu.memory_space<vmem>> -> memref<1x32xf32, #tpu.memory_space<vmem>>
        %dma_start3A_273 = arith.constant 0 : i32
        %dma_start3A_274 = tpu.memref_slice %arg4[%squeeze3A_266, %dma_start3A_273] : memref<1000000x32xf32, #tpu.memory_space<hbm>> -> memref<1x32xf32, #tpu.memory_space<hbm>>
        %dma_start3A_275 = arith.constant 0 : i32
        %dma_start3A_276 = tpu.memref_slice %arg9[%add3A_270, %dma_start3A_275] : memref<256x32xf32, #tpu.memory_space<vmem>> -> memref<1x32xf32, #tpu.memory_space<vmem>>
        %dma_start3A_277 = arith.constant 0 : i32
        %dma_start3A_278 = tpu.memref_slice %arg4[%squeeze3A_266, %dma_start3A_277] : memref<1000000x32xf32, #tpu.memory_space<hbm>> -> memref<1x32xf32, #tpu.memory_space<hbm>>
        tpu.enqueue_dma source(%dma_start3A_278 : memref<1x32xf32, #tpu.memory_space<hbm>>) target(%dma_start3A_276 : memref<1x32xf32, #tpu.memory_space<vmem>>) target_semaphore(%arg12 : memref<!tpu.dma_semaphore, #tpu.memory_space<semaphore_mem>>)
        %slice3A_279 = vector.extract_strided_slice %get3A_43 {offsets = [8], sizes = [1], strides = [1]} : vector<16xi32> to vector<1xi32>
        %squeeze3A_280 = vector.extract %slice3A_279[0] : i32 from vector<1xi32>
        %mul3A_281 = arith.constant 16 : i32
        %mul3A_282 = arith.muli %scan3A_34, %mul3A_281 : i32
        %add3A_283 = arith.constant 8 : i32
        %add3A_284 = arith.addi %mul3A_282, %add3A_283 : i32
        %dma_start3A_285 = arith.constant 0 : i32
        %dma_start3A_286 = tpu.memref_slice %arg10[%add3A_284, %dma_start3A_285] : memref<256x32xf32, #tpu.memory_space<vmem>> -> memref<1x32xf32, #tpu.memory_space<vmem>>
        %dma_start3A_287 = arith.constant 0 : i32
        %dma_start3A_288 = tpu.memref_slice %arg5[%squeeze3A_280, %dma_start3A_287] : memref<1000000x32xf32, #tpu.memory_space<hbm>> -> memref<1x32xf32, #tpu.memory_space<hbm>>
        %dma_start3A_289 = arith.constant 0 : i32
        %dma_start3A_290 = tpu.memref_slice %arg10[%add3A_284, %dma_start3A_289] : memref<256x32xf32, #tpu.memory_space<vmem>> -> memref<1x32xf32, #tpu.memory_space<vmem>>
        %dma_start3A_291 = arith.constant 0 : i32
        %dma_start3A_292 = tpu.memref_slice %arg5[%squeeze3A_280, %dma_start3A_291] : memref<1000000x32xf32, #tpu.memory_space<hbm>> -> memref<1x32xf32, #tpu.memory_space<hbm>>
        tpu.enqueue_dma source(%dma_start3A_292 : memref<1x32xf32, #tpu.memory_space<hbm>>) target(%dma_start3A_290 : memref<1x32xf32, #tpu.memory_space<vmem>>) target_semaphore(%arg13 : memref<!tpu.dma_semaphore, #tpu.memory_space<semaphore_mem>>)
        %slice3A_293 = vector.extract_strided_slice %get3A_38 {offsets = [9], sizes = [1], strides = [1]} : vector<16xi32> to vector<1xi32>
        %squeeze3A_294 = vector.extract %slice3A_293[0] : i32 from vector<1xi32>
        %mul3A_295 = arith.constant 16 : i32
        %mul3A_296 = arith.muli %scan3A_34, %mul3A_295 : i32
        %add3A_297 = arith.constant 9 : i32
        %add3A_298 = arith.addi %mul3A_296, %add3A_297 : i32
        %dma_start3A_299 = arith.constant 0 : i32
        %dma_start3A_300 = tpu.memref_slice %arg9[%add3A_298, %dma_start3A_299] : memref<256x32xf32, #tpu.memory_space<vmem>> -> memref<1x32xf32, #tpu.memory_space<vmem>>
        %dma_start3A_301 = arith.constant 0 : i32
        %dma_start3A_302 = tpu.memref_slice %arg4[%squeeze3A_294, %dma_start3A_301] : memref<1000000x32xf32, #tpu.memory_space<hbm>> -> memref<1x32xf32, #tpu.memory_space<hbm>>
        %dma_start3A_303 = arith.constant 0 : i32
        %dma_start3A_304 = tpu.memref_slice %arg9[%add3A_298, %dma_start3A_303] : memref<256x32xf32, #tpu.memory_space<vmem>> -> memref<1x32xf32, #tpu.memory_space<vmem>>
        %dma_start3A_305 = arith.constant 0 : i32
        %dma_start3A_306 = tpu.memref_slice %arg4[%squeeze3A_294, %dma_start3A_305] : memref<1000000x32xf32, #tpu.memory_space<hbm>> -> memref<1x32xf32, #tpu.memory_space<hbm>>
        tpu.enqueue_dma source(%dma_start3A_306 : memref<1x32xf32, #tpu.memory_space<hbm>>) target(%dma_start3A_304 : memref<1x32xf32, #tpu.memory_space<vmem>>) target_semaphore(%arg12 : memref<!tpu.dma_semaphore, #tpu.memory_space<semaphore_mem>>)
        %slice3A_307 = vector.extract_strided_slice %get3A_43 {offsets = [9], sizes = [1], strides = [1]} : vector<16xi32> to vector<1xi32>
        %squeeze3A_308 = vector.extract %slice3A_307[0] : i32 from vector<1xi32>
        %mul3A_309 = arith.constant 16 : i32
        %mul3A_310 = arith.muli %scan3A_34, %mul3A_309 : i32
        %add3A_311 = arith.constant 9 : i32
        %add3A_312 = arith.addi %mul3A_310, %add3A_311 : i32
        %dma_start3A_313 = arith.constant 0 : i32
        %dma_start3A_314 = tpu.memref_slice %arg10[%add3A_312, %dma_start3A_313] : memref<256x32xf32, #tpu.memory_space<vmem>> -> memref<1x32xf32, #tpu.memory_space<vmem>>
        %dma_start3A_315 = arith.constant 0 : i32
        %dma_start3A_316 = tpu.memref_slice %arg5[%squeeze3A_308, %dma_start3A_315] : memref<1000000x32xf32, #tpu.memory_space<hbm>> -> memref<1x32xf32, #tpu.memory_space<hbm>>
        %dma_start3A_317 = arith.constant 0 : i32
        %dma_start3A_318 = tpu.memref_slice %arg10[%add3A_312, %dma_start3A_317] : memref<256x32xf32, #tpu.memory_space<vmem>> -> memref<1x32xf32, #tpu.memory_space<vmem>>
        %dma_start3A_319 = arith.constant 0 : i32
        %dma_start3A_320 = tpu.memref_slice %arg5[%squeeze3A_308, %dma_start3A_319] : memref<1000000x32xf32, #tpu.memory_space<hbm>> -> memref<1x32xf32, #tpu.memory_space<hbm>>
        tpu.enqueue_dma source(%dma_start3A_320 : memref<1x32xf32, #tpu.memory_space<hbm>>) target(%dma_start3A_318 : memref<1x32xf32, #tpu.memory_space<vmem>>) target_semaphore(%arg13 : memref<!tpu.dma_semaphore, #tpu.memory_space<semaphore_mem>>)
        %slice3A_321 = vector.extract_strided_slice %get3A_38 {offsets = [10], sizes = [1], strides = [1]} : vector<16xi32> to vector<1xi32>
        %squeeze3A_322 = vector.extract %slice3A_321[0] : i32 from vector<1xi32>
        %mul3A_323 = arith.constant 16 : i32
        %mul3A_324 = arith.muli %scan3A_34, %mul3A_323 : i32
        %add3A_325 = arith.constant 10 : i32
        %add3A_326 = arith.addi %mul3A_324, %add3A_325 : i32
        %dma_start3A_327 = arith.constant 0 : i32
        %dma_start3A_328 = tpu.memref_slice %arg9[%add3A_326, %dma_start3A_327] : memref<256x32xf32, #tpu.memory_space<vmem>> -> memref<1x32xf32, #tpu.memory_space<vmem>>
        %dma_start3A_329 = arith.constant 0 : i32
        %dma_start3A_330 = tpu.memref_slice %arg4[%squeeze3A_322, %dma_start3A_329] : memref<1000000x32xf32, #tpu.memory_space<hbm>> -> memref<1x32xf32, #tpu.memory_space<hbm>>
        %dma_start3A_331 = arith.constant 0 : i32
        %dma_start3A_332 = tpu.memref_slice %arg9[%add3A_326, %dma_start3A_331] : memref<256x32xf32, #tpu.memory_space<vmem>> -> memref<1x32xf32, #tpu.memory_space<vmem>>
        %dma_start3A_333 = arith.constant 0 : i32
        %dma_start3A_334 = tpu.memref_slice %arg4[%squeeze3A_322, %dma_start3A_333] : memref<1000000x32xf32, #tpu.memory_space<hbm>> -> memref<1x32xf32, #tpu.memory_space<hbm>>
        tpu.enqueue_dma source(%dma_start3A_334 : memref<1x32xf32, #tpu.memory_space<hbm>>) target(%dma_start3A_332 : memref<1x32xf32, #tpu.memory_space<vmem>>) target_semaphore(%arg12 : memref<!tpu.dma_semaphore, #tpu.memory_space<semaphore_mem>>)
        %slice3A_335 = vector.extract_strided_slice %get3A_43 {offsets = [10], sizes = [1], strides = [1]} : vector<16xi32> to vector<1xi32>
        %squeeze3A_336 = vector.extract %slice3A_335[0] : i32 from vector<1xi32>
        %mul3A_337 = arith.constant 16 : i32
        %mul3A_338 = arith.muli %scan3A_34, %mul3A_337 : i32
        %add3A_339 = arith.constant 10 : i32
        %add3A_340 = arith.addi %mul3A_338, %add3A_339 : i32
        %dma_start3A_341 = arith.constant 0 : i32
        %dma_start3A_342 = tpu.memref_slice %arg10[%add3A_340, %dma_start3A_341] : memref<256x32xf32, #tpu.memory_space<vmem>> -> memref<1x32xf32, #tpu.memory_space<vmem>>
        %dma_start3A_343 = arith.constant 0 : i32
        %dma_start3A_344 = tpu.memref_slice %arg5[%squeeze3A_336, %dma_start3A_343] : memref<1000000x32xf32, #tpu.memory_space<hbm>> -> memref<1x32xf32, #tpu.memory_space<hbm>>
        %dma_start3A_345 = arith.constant 0 : i32
        %dma_start3A_346 = tpu.memref_slice %arg10[%add3A_340, %dma_start3A_345] : memref<256x32xf32, #tpu.memory_space<vmem>> -> memref<1x32xf32, #tpu.memory_space<vmem>>
        %dma_start3A_347 = arith.constant 0 : i32
        %dma_start3A_348 = tpu.memref_slice %arg5[%squeeze3A_336, %dma_start3A_347] : memref<1000000x32xf32, #tpu.memory_space<hbm>> -> memref<1x32xf32, #tpu.memory_space<hbm>>
        tpu.enqueue_dma source(%dma_start3A_348 : memref<1x32xf32, #tpu.memory_space<hbm>>) target(%dma_start3A_346 : memref<1x32xf32, #tpu.memory_space<vmem>>) target_semaphore(%arg13 : memref<!tpu.dma_semaphore, #tpu.memory_space<semaphore_mem>>)
        %slice3A_349 = vector.extract_strided_slice %get3A_38 {offsets = [11], sizes = [1], strides = [1]} : vector<16xi32> to vector<1xi32>
        %squeeze3A_350 = vector.extract %slice3A_349[0] : i32 from vector<1xi32>
        %mul3A_351 = arith.constant 16 : i32
        %mul3A_352 = arith.muli %scan3A_34, %mul3A_351 : i32
        %add3A_353 = arith.constant 11 : i32
        %add3A_354 = arith.addi %mul3A_352, %add3A_353 : i32
        %dma_start3A_355 = arith.constant 0 : i32
        %dma_start3A_356 = tpu.memref_slice %arg9[%add3A_354, %dma_start3A_355] : memref<256x32xf32, #tpu.memory_space<vmem>> -> memref<1x32xf32, #tpu.memory_space<vmem>>
        %dma_start3A_357 = arith.constant 0 : i32
        %dma_start3A_358 = tpu.memref_slice %arg4[%squeeze3A_350, %dma_start3A_357] : memref<1000000x32xf32, #tpu.memory_space<hbm>> -> memref<1x32xf32, #tpu.memory_space<hbm>>
        %dma_start3A_359 = arith.constant 0 : i32
        %dma_start3A_360 = tpu.memref_slice %arg9[%add3A_354, %dma_start3A_359] : memref<256x32xf32, #tpu.memory_space<vmem>> -> memref<1x32xf32, #tpu.memory_space<vmem>>
        %dma_start3A_361 = arith.constant 0 : i32
        %dma_start3A_362 = tpu.memref_slice %arg4[%squeeze3A_350, %dma_start3A_361] : memref<1000000x32xf32, #tpu.memory_space<hbm>> -> memref<1x32xf32, #tpu.memory_space<hbm>>
        tpu.enqueue_dma source(%dma_start3A_362 : memref<1x32xf32, #tpu.memory_space<hbm>>) target(%dma_start3A_360 : memref<1x32xf32, #tpu.memory_space<vmem>>) target_semaphore(%arg12 : memref<!tpu.dma_semaphore, #tpu.memory_space<semaphore_mem>>)
        %slice3A_363 = vector.extract_strided_slice %get3A_43 {offsets = [11], sizes = [1], strides = [1]} : vector<16xi32> to vector<1xi32>
        %squeeze3A_364 = vector.extract %slice3A_363[0] : i32 from vector<1xi32>
        %mul3A_365 = arith.constant 16 : i32
        %mul3A_366 = arith.muli %scan3A_34, %mul3A_365 : i32
        %add3A_367 = arith.constant 11 : i32
        %add3A_368 = arith.addi %mul3A_366, %add3A_367 : i32
        %dma_start3A_369 = arith.constant 0 : i32
        %dma_start3A_370 = tpu.memref_slice %arg10[%add3A_368, %dma_start3A_369] : memref<256x32xf32, #tpu.memory_space<vmem>> -> memref<1x32xf32, #tpu.memory_space<vmem>>
        %dma_start3A_371 = arith.constant 0 : i32
        %dma_start3A_372 = tpu.memref_slice %arg5[%squeeze3A_364, %dma_start3A_371] : memref<1000000x32xf32, #tpu.memory_space<hbm>> -> memref<1x32xf32, #tpu.memory_space<hbm>>
        %dma_start3A_373 = arith.constant 0 : i32
        %dma_start3A_374 = tpu.memref_slice %arg10[%add3A_368, %dma_start3A_373] : memref<256x32xf32, #tpu.memory_space<vmem>> -> memref<1x32xf32, #tpu.memory_space<vmem>>
        %dma_start3A_375 = arith.constant 0 : i32
        %dma_start3A_376 = tpu.memref_slice %arg5[%squeeze3A_364, %dma_start3A_375] : memref<1000000x32xf32, #tpu.memory_space<hbm>> -> memref<1x32xf32, #tpu.memory_space<hbm>>
        tpu.enqueue_dma source(%dma_start3A_376 : memref<1x32xf32, #tpu.memory_space<hbm>>) target(%dma_start3A_374 : memref<1x32xf32, #tpu.memory_space<vmem>>) target_semaphore(%arg13 : memref<!tpu.dma_semaphore, #tpu.memory_space<semaphore_mem>>)
        %slice3A_377 = vector.extract_strided_slice %get3A_38 {offsets = [12], sizes = [1], strides = [1]} : vector<16xi32> to vector<1xi32>
        %squeeze3A_378 = vector.extract %slice3A_377[0] : i32 from vector<1xi32>
        %mul3A_379 = arith.constant 16 : i32
        %mul3A_380 = arith.muli %scan3A_34, %mul3A_379 : i32
        %add3A_381 = arith.constant 12 : i32
        %add3A_382 = arith.addi %mul3A_380, %add3A_381 : i32
        %dma_start3A_383 = arith.constant 0 : i32
        %dma_start3A_384 = tpu.memref_slice %arg9[%add3A_382, %dma_start3A_383] : memref<256x32xf32, #tpu.memory_space<vmem>> -> memref<1x32xf32, #tpu.memory_space<vmem>>
        %dma_start3A_385 = arith.constant 0 : i32
        %dma_start3A_386 = tpu.memref_slice %arg4[%squeeze3A_378, %dma_start3A_385] : memref<1000000x32xf32, #tpu.memory_space<hbm>> -> memref<1x32xf32, #tpu.memory_space<hbm>>
        %dma_start3A_387 = arith.constant 0 : i32
        %dma_start3A_388 = tpu.memref_slice %arg9[%add3A_382, %dma_start3A_387] : memref<256x32xf32, #tpu.memory_space<vmem>> -> memref<1x32xf32, #tpu.memory_space<vmem>>
        %dma_start3A_389 = arith.constant 0 : i32
        %dma_start3A_390 = tpu.memref_slice %arg4[%squeeze3A_378, %dma_start3A_389] : memref<1000000x32xf32, #tpu.memory_space<hbm>> -> memref<1x32xf32, #tpu.memory_space<hbm>>
        tpu.enqueue_dma source(%dma_start3A_390 : memref<1x32xf32, #tpu.memory_space<hbm>>) target(%dma_start3A_388 : memref<1x32xf32, #tpu.memory_space<vmem>>) target_semaphore(%arg12 : memref<!tpu.dma_semaphore, #tpu.memory_space<semaphore_mem>>)
        %slice3A_391 = vector.extract_strided_slice %get3A_43 {offsets = [12], sizes = [1], strides = [1]} : vector<16xi32> to vector<1xi32>
        %squeeze3A_392 = vector.extract %slice3A_391[0] : i32 from vector<1xi32>
        %mul3A_393 = arith.constant 16 : i32
        %mul3A_394 = arith.muli %scan3A_34, %mul3A_393 : i32
        %add3A_395 = arith.constant 12 : i32
        %add3A_396 = arith.addi %mul3A_394, %add3A_395 : i32
        %dma_start3A_397 = arith.constant 0 : i32
        %dma_start3A_398 = tpu.memref_slice %arg10[%add3A_396, %dma_start3A_397] : memref<256x32xf32, #tpu.memory_space<vmem>> -> memref<1x32xf32, #tpu.memory_space<vmem>>
        %dma_start3A_399 = arith.constant 0 : i32
        %dma_start3A_400 = tpu.memref_slice %arg5[%squeeze3A_392, %dma_start3A_399] : memref<1000000x32xf32, #tpu.memory_space<hbm>> -> memref<1x32xf32, #tpu.memory_space<hbm>>
        %dma_start3A_401 = arith.constant 0 : i32
        %dma_start3A_402 = tpu.memref_slice %arg10[%add3A_396, %dma_start3A_401] : memref<256x32xf32, #tpu.memory_space<vmem>> -> memref<1x32xf32, #tpu.memory_space<vmem>>
        %dma_start3A_403 = arith.constant 0 : i32
        %dma_start3A_404 = tpu.memref_slice %arg5[%squeeze3A_392, %dma_start3A_403] : memref<1000000x32xf32, #tpu.memory_space<hbm>> -> memref<1x32xf32, #tpu.memory_space<hbm>>
        tpu.enqueue_dma source(%dma_start3A_404 : memref<1x32xf32, #tpu.memory_space<hbm>>) target(%dma_start3A_402 : memref<1x32xf32, #tpu.memory_space<vmem>>) target_semaphore(%arg13 : memref<!tpu.dma_semaphore, #tpu.memory_space<semaphore_mem>>)
        %slice3A_405 = vector.extract_strided_slice %get3A_38 {offsets = [13], sizes = [1], strides = [1]} : vector<16xi32> to vector<1xi32>
        %squeeze3A_406 = vector.extract %slice3A_405[0] : i32 from vector<1xi32>
        %mul3A_407 = arith.constant 16 : i32
        %mul3A_408 = arith.muli %scan3A_34, %mul3A_407 : i32
        %add3A_409 = arith.constant 13 : i32
        %add3A_410 = arith.addi %mul3A_408, %add3A_409 : i32
        %dma_start3A_411 = arith.constant 0 : i32
        %dma_start3A_412 = tpu.memref_slice %arg9[%add3A_410, %dma_start3A_411] : memref<256x32xf32, #tpu.memory_space<vmem>> -> memref<1x32xf32, #tpu.memory_space<vmem>>
        %dma_start3A_413 = arith.constant 0 : i32
        %dma_start3A_414 = tpu.memref_slice %arg4[%squeeze3A_406, %dma_start3A_413] : memref<1000000x32xf32, #tpu.memory_space<hbm>> -> memref<1x32xf32, #tpu.memory_space<hbm>>
        %dma_start3A_415 = arith.constant 0 : i32
        %dma_start3A_416 = tpu.memref_slice %arg9[%add3A_410, %dma_start3A_415] : memref<256x32xf32, #tpu.memory_space<vmem>> -> memref<1x32xf32, #tpu.memory_space<vmem>>
        %dma_start3A_417 = arith.constant 0 : i32
        %dma_start3A_418 = tpu.memref_slice %arg4[%squeeze3A_406, %dma_start3A_417] : memref<1000000x32xf32, #tpu.memory_space<hbm>> -> memref<1x32xf32, #tpu.memory_space<hbm>>
        tpu.enqueue_dma source(%dma_start3A_418 : memref<1x32xf32, #tpu.memory_space<hbm>>) target(%dma_start3A_416 : memref<1x32xf32, #tpu.memory_space<vmem>>) target_semaphore(%arg12 : memref<!tpu.dma_semaphore, #tpu.memory_space<semaphore_mem>>)
        %slice3A_419 = vector.extract_strided_slice %get3A_43 {offsets = [13], sizes = [1], strides = [1]} : vector<16xi32> to vector<1xi32>
        %squeeze3A_420 = vector.extract %slice3A_419[0] : i32 from vector<1xi32>
        %mul3A_421 = arith.constant 16 : i32
        %mul3A_422 = arith.muli %scan3A_34, %mul3A_421 : i32
        %add3A_423 = arith.constant 13 : i32
        %add3A_424 = arith.addi %mul3A_422, %add3A_423 : i32
        %dma_start3A_425 = arith.constant 0 : i32
        %dma_start3A_426 = tpu.memref_slice %arg10[%add3A_424, %dma_start3A_425] : memref<256x32xf32, #tpu.memory_space<vmem>> -> memref<1x32xf32, #tpu.memory_space<vmem>>
        %dma_start3A_427 = arith.constant 0 : i32
        %dma_start3A_428 = tpu.memref_slice %arg5[%squeeze3A_420, %dma_start3A_427] : memref<1000000x32xf32, #tpu.memory_space<hbm>> -> memref<1x32xf32, #tpu.memory_space<hbm>>
        %dma_start3A_429 = arith.constant 0 : i32
        %dma_start3A_430 = tpu.memref_slice %arg10[%add3A_424, %dma_start3A_429] : memref<256x32xf32, #tpu.memory_space<vmem>> -> memref<1x32xf32, #tpu.memory_space<vmem>>
        %dma_start3A_431 = arith.constant 0 : i32
        %dma_start3A_432 = tpu.memref_slice %arg5[%squeeze3A_420, %dma_start3A_431] : memref<1000000x32xf32, #tpu.memory_space<hbm>> -> memref<1x32xf32, #tpu.memory_space<hbm>>
        tpu.enqueue_dma source(%dma_start3A_432 : memref<1x32xf32, #tpu.memory_space<hbm>>) target(%dma_start3A_430 : memref<1x32xf32, #tpu.memory_space<vmem>>) target_semaphore(%arg13 : memref<!tpu.dma_semaphore, #tpu.memory_space<semaphore_mem>>)
        %slice3A_433 = vector.extract_strided_slice %get3A_38 {offsets = [14], sizes = [1], strides = [1]} : vector<16xi32> to vector<1xi32>
        %squeeze3A_434 = vector.extract %slice3A_433[0] : i32 from vector<1xi32>
        %mul3A_435 = arith.constant 16 : i32
        %mul3A_436 = arith.muli %scan3A_34, %mul3A_435 : i32
        %add3A_437 = arith.constant 14 : i32
        %add3A_438 = arith.addi %mul3A_436, %add3A_437 : i32
        %dma_start3A_439 = arith.constant 0 : i32
        %dma_start3A_440 = tpu.memref_slice %arg9[%add3A_438, %dma_start3A_439] : memref<256x32xf32, #tpu.memory_space<vmem>> -> memref<1x32xf32, #tpu.memory_space<vmem>>
        %dma_start3A_441 = arith.constant 0 : i32
        %dma_start3A_442 = tpu.memref_slice %arg4[%squeeze3A_434, %dma_start3A_441] : memref<1000000x32xf32, #tpu.memory_space<hbm>> -> memref<1x32xf32, #tpu.memory_space<hbm>>
        %dma_start3A_443 = arith.constant 0 : i32
        %dma_start3A_444 = tpu.memref_slice %arg9[%add3A_438, %dma_start3A_443] : memref<256x32xf32, #tpu.memory_space<vmem>> -> memref<1x32xf32, #tpu.memory_space<vmem>>
        %dma_start3A_445 = arith.constant 0 : i32
        %dma_start3A_446 = tpu.memref_slice %arg4[%squeeze3A_434, %dma_start3A_445] : memref<1000000x32xf32, #tpu.memory_space<hbm>> -> memref<1x32xf32, #tpu.memory_space<hbm>>
        tpu.enqueue_dma source(%dma_start3A_446 : memref<1x32xf32, #tpu.memory_space<hbm>>) target(%dma_start3A_444 : memref<1x32xf32, #tpu.memory_space<vmem>>) target_semaphore(%arg12 : memref<!tpu.dma_semaphore, #tpu.memory_space<semaphore_mem>>)
        %slice3A_447 = vector.extract_strided_slice %get3A_43 {offsets = [14], sizes = [1], strides = [1]} : vector<16xi32> to vector<1xi32>
        %squeeze3A_448 = vector.extract %slice3A_447[0] : i32 from vector<1xi32>
        %mul3A_449 = arith.constant 16 : i32
        %mul3A_450 = arith.muli %scan3A_34, %mul3A_449 : i32
        %add3A_451 = arith.constant 14 : i32
        %add3A_452 = arith.addi %mul3A_450, %add3A_451 : i32
        %dma_start3A_453 = arith.constant 0 : i32
        %dma_start3A_454 = tpu.memref_slice %arg10[%add3A_452, %dma_start3A_453] : memref<256x32xf32, #tpu.memory_space<vmem>> -> memref<1x32xf32, #tpu.memory_space<vmem>>
        %dma_start3A_455 = arith.constant 0 : i32
        %dma_start3A_456 = tpu.memref_slice %arg5[%squeeze3A_448, %dma_start3A_455] : memref<1000000x32xf32, #tpu.memory_space<hbm>> -> memref<1x32xf32, #tpu.memory_space<hbm>>
        %dma_start3A_457 = arith.constant 0 : i32
        %dma_start3A_458 = tpu.memref_slice %arg10[%add3A_452, %dma_start3A_457] : memref<256x32xf32, #tpu.memory_space<vmem>> -> memref<1x32xf32, #tpu.memory_space<vmem>>
        %dma_start3A_459 = arith.constant 0 : i32
        %dma_start3A_460 = tpu.memref_slice %arg5[%squeeze3A_448, %dma_start3A_459] : memref<1000000x32xf32, #tpu.memory_space<hbm>> -> memref<1x32xf32, #tpu.memory_space<hbm>>
        tpu.enqueue_dma source(%dma_start3A_460 : memref<1x32xf32, #tpu.memory_space<hbm>>) target(%dma_start3A_458 : memref<1x32xf32, #tpu.memory_space<vmem>>) target_semaphore(%arg13 : memref<!tpu.dma_semaphore, #tpu.memory_space<semaphore_mem>>)
        %slice3A_461 = vector.extract_strided_slice %get3A_38 {offsets = [15], sizes = [1], strides = [1]} : vector<16xi32> to vector<1xi32>
        %squeeze3A_462 = vector.extract %slice3A_461[0] : i32 from vector<1xi32>
        %mul3A_463 = arith.constant 16 : i32
        %mul3A_464 = arith.muli %scan3A_34, %mul3A_463 : i32
        %add3A_465 = arith.constant 15 : i32
        %add3A_466 = arith.addi %mul3A_464, %add3A_465 : i32
        %dma_start3A_467 = arith.constant 0 : i32
        %dma_start3A_468 = tpu.memref_slice %arg9[%add3A_466, %dma_start3A_467] : memref<256x32xf32, #tpu.memory_space<vmem>> -> memref<1x32xf32, #tpu.memory_space<vmem>>
        %dma_start3A_469 = arith.constant 0 : i32
        %dma_start3A_470 = tpu.memref_slice %arg4[%squeeze3A_462, %dma_start3A_469] : memref<1000000x32xf32, #tpu.memory_space<hbm>> -> memref<1x32xf32, #tpu.memory_space<hbm>>
        %dma_start3A_471 = arith.constant 0 : i32
        %dma_start3A_472 = tpu.memref_slice %arg9[%add3A_466, %dma_start3A_471] : memref<256x32xf32, #tpu.memory_space<vmem>> -> memref<1x32xf32, #tpu.memory_space<vmem>>
        %dma_start3A_473 = arith.constant 0 : i32
        %dma_start3A_474 = tpu.memref_slice %arg4[%squeeze3A_462, %dma_start3A_473] : memref<1000000x32xf32, #tpu.memory_space<hbm>> -> memref<1x32xf32, #tpu.memory_space<hbm>>
        tpu.enqueue_dma source(%dma_start3A_474 : memref<1x32xf32, #tpu.memory_space<hbm>>) target(%dma_start3A_472 : memref<1x32xf32, #tpu.memory_space<vmem>>) target_semaphore(%arg12 : memref<!tpu.dma_semaphore, #tpu.memory_space<semaphore_mem>>)
        %slice3A_475 = vector.extract_strided_slice %get3A_43 {offsets = [15], sizes = [1], strides = [1]} : vector<16xi32> to vector<1xi32>
        %squeeze3A_476 = vector.extract %slice3A_475[0] : i32 from vector<1xi32>
        %mul3A_477 = arith.constant 16 : i32
        %mul3A_478 = arith.muli %scan3A_34, %mul3A_477 : i32
        %add3A_479 = arith.constant 15 : i32
        %add3A_480 = arith.addi %mul3A_478, %add3A_479 : i32
        %dma_start3A_481 = arith.constant 0 : i32
        %dma_start3A_482 = tpu.memref_slice %arg10[%add3A_480, %dma_start3A_481] : memref<256x32xf32, #tpu.memory_space<vmem>> -> memref<1x32xf32, #tpu.memory_space<vmem>>
        %dma_start3A_483 = arith.constant 0 : i32
        %dma_start3A_484 = tpu.memref_slice %arg5[%squeeze3A_476, %dma_start3A_483] : memref<1000000x32xf32, #tpu.memory_space<hbm>> -> memref<1x32xf32, #tpu.memory_space<hbm>>
        %dma_start3A_485 = arith.constant 0 : i32
        %dma_start3A_486 = tpu.memref_slice %arg10[%add3A_480, %dma_start3A_485] : memref<256x32xf32, #tpu.memory_space<vmem>> -> memref<1x32xf32, #tpu.memory_space<vmem>>
        %dma_start3A_487 = arith.constant 0 : i32
        %dma_start3A_488 = tpu.memref_slice %arg5[%squeeze3A_476, %dma_start3A_487] : memref<1000000x32xf32, #tpu.memory_space<hbm>> -> memref<1x32xf32, #tpu.memory_space<hbm>>
        tpu.enqueue_dma source(%dma_start3A_488 : memref<1x32xf32, #tpu.memory_space<hbm>>) target(%dma_start3A_486 : memref<1x32xf32, #tpu.memory_space<vmem>>) target_semaphore(%arg13 : memref<!tpu.dma_semaphore, #tpu.memory_space<semaphore_mem>>)
      }
      %scan3A_16 = arith.constant 16 : i32
      %dma_wait3A = arith.constant 0 : i32
      %dma_wait3A_17 = arith.constant 0 : i32
      %dma_wait3A_18 = tpu.memref_slice %arg4[%dma_wait3A, %dma_wait3A_17] : memref<1000000x32xf32, #tpu.memory_space<hbm>> -> memref<256x32xf32, #tpu.memory_space<hbm>>
      %dma_wait3A_19 = arith.constant 0 : i32
      %dma_wait3A_20 = arith.constant 0 : i32
      %dma_wait3A_21 = tpu.memref_slice %arg4[%dma_wait3A_19, %dma_wait3A_20] : memref<1000000x32xf32, #tpu.memory_space<hbm>> -> memref<256x32xf32, #tpu.memory_space<hbm>>
      tpu.wait_dma2 semaphore(%arg12 : memref<!tpu.dma_semaphore, #tpu.memory_space<semaphore_mem>>) src(%dma_wait3A_21 : memref<256x32xf32, #tpu.memory_space<hbm>>) dst(%arg9 : memref<256x32xf32, #tpu.memory_space<vmem>>)
      %dma_wait3A_22 = arith.constant 0 : i32
      %dma_wait3A_23 = arith.constant 0 : i32
      %dma_wait3A_24 = tpu.memref_slice %arg5[%dma_wait3A_22, %dma_wait3A_23] : memref<1000000x32xf32, #tpu.memory_space<hbm>> -> memref<256x32xf32, #tpu.memory_space<hbm>>
      %dma_wait3A_25 = arith.constant 0 : i32
      %dma_wait3A_26 = arith.constant 0 : i32
      %dma_wait3A_27 = tpu.memref_slice %arg5[%dma_wait3A_25, %dma_wait3A_26] : memref<1000000x32xf32, #tpu.memory_space<hbm>> -> memref<256x32xf32, #tpu.memory_space<hbm>>
      tpu.wait_dma2 semaphore(%arg13 : memref<!tpu.dma_semaphore, #tpu.memory_space<semaphore_mem>>) src(%dma_wait3A_27 : memref<256x32xf32, #tpu.memory_space<hbm>>) dst(%arg10 : memref<256x32xf32, #tpu.memory_space<vmem>>)
      %scan3A_28 = arith.constant 0 : i32
      %scan3A_29 = arith.constant 0 : i32
      %scan3A_30 = arith.constant 16 : i32
      %scan3A_31 = arith.addi %scan3A_29, %scan3A_30 : i32
      %scan3A_32 = arith.constant 1 : i32
      scf.for %scan3A_34 = %scan3A_29 to %scan3A_31 step %scan3A_32  : i32 {
        %broadcast_in_dim3A = arith.constant 0.000000e+00 : f32
        %broadcast_in_dim3A_35 = vector.broadcast %broadcast_in_dim3A : f32 to vector<16xf32>
        %scan3A_36 = arith.constant 0 : i32
        %scan3A_37 = arith.constant 16 : i32
        %scan3A_38 = arith.addi %scan3A_36, %scan3A_37 : i32
        %scan3A_39 = arith.constant 1 : i32
        %scan3A_40 = scf.for %scan3A_46 = %scan3A_36 to %scan3A_38 step %scan3A_39 iter_args(%scan3A_47 = %broadcast_in_dim3A_35) -> (vector<16xf32>)  : i32 {
          %mul3A_48 = arith.constant 16 : i32
          %mul3A_49 = arith.muli %scan3A_34, %mul3A_48 : i32
          %add3A_50 = arith.addi %mul3A_49, %scan3A_46 : i32
          %get3A = arith.index_cast %add3A_50 : i32 to index
          %get3A_51 = arith.constant 0 : index
          %get3A_52 = tpu.vector_load %arg9[%get3A, %get3A_51] {strides = array<i32>} : memref<256x32xf32, #tpu.memory_space<vmem>>, vector<16xf32>,
          %get3A_53 = arith.index_cast %add3A_50 : i32 to index
          %get3A_54 = arith.constant 16 : index
          %get3A_55 = tpu.vector_load %arg9[%get3A_53, %get3A_54] {strides = array<i32>} : memref<256x32xf32, #tpu.memory_space<vmem>>, vector<16xf32>,
          %get3A_56 = arith.index_cast %add3A_50 : i32 to index
          %get3A_57 = arith.constant 0 : index
          %get3A_58 = tpu.vector_load %arg10[%get3A_56, %get3A_57] {strides = array<i32>} : memref<256x32xf32, #tpu.memory_space<vmem>>, vector<16xf32>,
          %get3A_59 = arith.index_cast %add3A_50 : i32 to index
          %get3A_60 = arith.constant 16 : index
          %get3A_61 = tpu.vector_load %arg10[%get3A_59, %get3A_60] {strides = array<i32>} : memref<256x32xf32, #tpu.memory_space<vmem>>, vector<16xf32>,
          %mul3A_62 = arith.mulf %get3A_52, %get3A_58 : vector<16xf32>
          %mul3A_63 = arith.mulf %get3A_55, %get3A_61 : vector<16xf32>
          %add3A_64 = arith.addf %mul3A_62, %mul3A_63 : vector<16xf32>
          %reduce_sum3A = arith.constant true
          %reduce_sum3A_65 = vector.broadcast %reduce_sum3A : i1 to vector<16xi1>
          %reduce_sum3A_66 = tpu.scan <sum>, %add3A_64 masked %reduce_sum3A_65 : vector<16xf32>, vector<16xi1> -> vector<16xf32>
          %reduce_sum3A_67 = vector.extract %reduce_sum3A_66[15] : f32 from vector<16xf32>
          %eq3A = vector.broadcast %scan3A_46 : i32 to vector<16xi32>
          %eq3A_68 = arith.cmpi eq, %iota3A, %eq3A : vector<16xi32>
          %broadcast_in_dim3A_69 = vector.broadcast %reduce_sum3A_67 : f32 to vector<16xf32>
          %select_n3A = arith.select %eq3A_68, %broadcast_in_dim3A_69, %scan3A_47 : vector<16xi1>, vector<16xf32>
          scf.yield %select_n3A : vector<16xf32>
        }
        %scan3A_41 = arith.constant 16 : i32
        %mul3A_42 = arith.constant 16 : i32
        %mul3A_43 = arith.muli %scan3A_34, %mul3A_42 : i32
        %add3A_44 = arith.addi %mul3A_10, %mul3A_43 : i32
        %swap3A = arith.index_cast %add3A_44 : i32 to index
        %swap3A_45 = tpu.vector_load %arg11[%swap3A] {strides = array<i32>} : memref<512xf32, #tpu.memory_space<vmem>>, vector<16xf32>,
        tpu.vector_store %arg11[%swap3A], %scan3A_40 {strides = array<i32>} : memref<512xf32, #tpu.memory_space<vmem>>, vector<16xf32>,
      }
      %scan3A_33 = arith.constant 16 : i32
    }
    %scan3A_7 = arith.constant 2 : i32
    "tpu.region"() ({
      %run_scoped3A = tpu.sem_alloc : memref<!tpu.dma_semaphore, #tpu.memory_space<semaphore_mem>>
      %dma_start3A = tpu.memref_slice %arg6[%mul3A_2] : memref<16384xf32, #tpu.memory_space<hbm>> -> memref<512xf32, #tpu.memory_space<hbm>>
      %dma_start3A_8 = tpu.memref_slice %arg6[%mul3A_2] : memref<16384xf32, #tpu.memory_space<hbm>> -> memref<512xf32, #tpu.memory_space<hbm>>
      tpu.enqueue_dma source(%arg11 : memref<512xf32, #tpu.memory_space<vmem>>) target(%dma_start3A_8 : memref<512xf32, #tpu.memory_space<hbm>>) target_semaphore(%run_scoped3A : memref<!tpu.dma_semaphore, #tpu.memory_space<semaphore_mem>>)
      %dma_wait3A = tpu.memref_slice %arg6[%mul3A_2] : memref<16384xf32, #tpu.memory_space<hbm>> -> memref<512xf32, #tpu.memory_space<hbm>>
      %dma_wait3A_9 = tpu.memref_slice %arg6[%mul3A_2] : memref<16384xf32, #tpu.memory_space<hbm>> -> memref<512xf32, #tpu.memory_space<hbm>>
      tpu.wait_dma2 semaphore(%run_scoped3A : memref<!tpu.dma_semaphore, #tpu.memory_space<semaphore_mem>>) src(%arg11 : memref<512xf32, #tpu.memory_space<vmem>>) dst(%dma_wait3A_9 : memref<512xf32, #tpu.memory_space<hbm>>)
      tpu.yield
    }) : () -> ()
    return
  }
}

</mosaic_0001>

<sc_bundles>
// kernel: kernel.3.cloned.1.call-start
scs
__scs_entry_jumppad:
0x0: {  	(pc) =	sbr.rel $0x88, $3  }
0x1: {  	(tag) =	ssettag $0x0;
	lr =	simm.s32 $0x1  }
0x2: {  	[smem:$0x3F9D] =	sst lr;
	_ =	strace $0xD0000000  }
0x3: {  	_ = 	snop  }
0x4: {  	_ = 	snop  }
0x5: {  	_ = 	snop  }
0x6: {  	_ = 	snop  }
0x7: {  	_ = 	snop  }
__scs_overlays_trampoline_lowered:
0x8: {  	[smem:$0x3FAC] =	sst s0  }
0x9: {  	[smem:$0x3FAD] =	sst s1  }
0xa: {  	[smem:$0x3FAE] =	sst s2  }
0xb: {  	[smem:$0x3FAF] =	sst s3  }
0xc: {  	[smem:$0x3FB0] =	sst s4  }
0xd: {  	[smem:$0x3FB1] =	sst s5  }
0xe: {  	[smem:$0x3FB2] =	sst s6  }
0xf: {  	[smem:$0x3FB3] =	sst s7  }
0x10: {  	[smem:$0x3FB4] =	sst s8  }
0x11: {  	[smem:$0x3FB5] =	sst s9;
	s0 =	simm.s32 @!p0 $0x0  }
0x12: {  	s1 =	sld [smem:$0x3F9B];
	s0 =	simm.s32 @p0 $0x1  }
0x13: {  	[smem:$0x3FB6] =	sst s0;
	s0 =	simm.s32 @!p1 $0x0  }
0x14: {  	s2 =	sld [smem:$0x3F9A];
	s0 =	simm.s32 @p1 $0x1  }
0x15: {  	[smem:$0x3FB7] =	sst s0;
	s0 =	simm.s32 @!p2 $0x0  }
0x16: {  	s3 =	sld [smem:$0x3FDB];
	s0 =	simm.s32 @p2 $0x1  }
0x17: {  	s4 =	simm.s32 $0x1BF5;
	[smem:$0x3FB9] =	sst s0  }
0x18: {  	s0 =	sld [smem:$0x3F9C];
	_ =	swait.ge [sflag:s4], $0x0  }
0x19: {  	s7 =	sld [smem:$0x3F9D]  }
0x1a: {  	s8 =	sadd.s32 $0xFFFFE003, lr  }
0x1b: {  	s9 =	sadd.s32 $0xFFFFFEF7, lr;
	s5 =	simm.s32 $0xFFFFFFFF;
	p2 =	slt.u32 s8, $0xFFFFF086  }
0x1c: {  	p1 =	slt.u32 s9, $0xF7A;
	s5 =	simm.s32 @!p2 $0x0  }
0x1d: {  	s5 =	simm.s32 @p1 $0x1;
	p0 =	seq.s32 s7, s2  }
0x1e: {  	s7 =	smul.u32 @!p0 $0xF7A, s2;
	p2 =	seq.s32 @!p0 s5, $0x0  }
0x1f: {  	s9 =	smul.u32 $0xF7A, s1;
	s8 =	simm.s32 @!p0 $0x1BF5;
	p2 =	por !p2, p0  }
0x20: {  	[sflag:s8] =	ssyncset.s32 @!p0 $0xFFFFF086;
	s6 =	sadd.s32 @!p0 s3, s7;
	s7 =	simm.s32 @!p0 $0x108  }
0x21: {  	s3 =	sadd.s32 s3, s9;
	s6 =	sadd.s32 @!p0 $0x88, s6;
	s7 =	simm.s32 @p2 $0x1082  }
0x22: {  	[simem:s7], [sflag:s8] =	dma.local @!p0 [hbm:s6], $0xF7A  }
0x23: {  	s9 =	sor.u32 $0xD0000000, s2;
	s6 =	simm.s32 $0x108;
	_ =	swait.ge @!p0 [sflag:s8], $0x0  }
0x24: {  	s3 =	sadd.s32 $0x88, s3;
	s6 =	simm.s32 @!p1 $0x1082;
	[sflag:s4] =	ssyncset.s32 $0xFFFFF086  }
0x25: {  	[simem:s6], [sflag:s4] =	dma.local [hbm:s3], $0xF7A  }
0x26: {  	[smem:$0x3F9D] =	sst s1;
	(tag) =	ssettag s2;
	_ =	strace s9  }
0x27: {  	s1 =	sld [smem:$0x3FAD]  }
0x28: {  	s2 =	sld [smem:$0x3FAE]  }
0x29: {  	s4 =	sld [smem:$0x3FB0]  }
0x2a: {  	p0 =	seq.s32 s5, $0x0;
	s5 =	sld [smem:$0x3FB1]  }
0x2b: {  	s6 =	sld [smem:$0x3FB2]  }
0x2c: {  	s7 =	sld [smem:$0x3FB3]  }
0x2d: {  	s3 =	simm.s32 $0x108;
	s8 =	sld [smem:$0x3FB4]  }
0x2e: {  	s3 =	simm.s32 @!p0 $0x1082;
	s9 =	sld [smem:$0x3FB5]  }
0x2f: {  	lr =	sadd.s32 s0, s3;
	s0 =	sld [smem:$0x3FAC]  }
0x30: {  	s3 =	sld [smem:$0x3FAF]  }
0x31: {  	[smem:$0x3FB8] =	sst s10  }
0x32: {  	s10 =	sld [smem:$0x3FB6];
	_ =	sdelay $0x3  }
0x33: {  	p0 =	seq.s32 s10, $0x1;
	s10 =	sld [smem:$0x3FB8];
	_ =	sdelay $0x3  }
0x34: {  	[smem:$0x3FB8] =	sst s10  }
0x35: {  	s10 =	sld [smem:$0x3FB7];
	_ =	sdelay $0x3  }
0x36: {  	p1 =	seq.s32 s10, $0x1;
	s10 =	sld [smem:$0x3FB8];
	_ =	sdelay $0x3  }
0x37: {  	[smem:$0x3FB8] =	sst s10  }
0x38: {  	s10 =	sld [smem:$0x3FB9]  }
0x39: {  	_ = 	snop;
	(pc) =	sbr.ind lr, $3  }
0x3a: {  	_ = 	snop  }
0x3b: {  	_ = 	snop  }
0x3c: {  	p2 =	seq.s32 s10, $0x1;
	s10 =	sld [smem:$0x3FB8]  }
0x3d: {  	_ =	shalt  }
0x3e: {  	_ =	shalt  }
0x3f: {  	_ =	shalt  }
0x40: {  	_ =	shalt  }
0x41: {  	_ =	shalt  }
0x42: {  	_ =	shalt  }
0x43: {  	_ =	shalt  }
0x44: {  	_ =	shalt  }
0x45: {  	_ =	shalt  }
0x46: {  	_ =	shalt  }
0x47: {  	_ =	shalt  }
0x48: {  	_ =	shalt  }
0x49: {  	_ =	shalt  }
0x4a: {  	_ =	shalt  }
0x4b: {  	_ =	shalt  }
0x4c: {  	_ =	shalt  }
0x4d: {  	_ =	shalt  }
0x4e: {  	_ =	shalt  }
0x4f: {  	_ =	shalt  }
0x50: {  	_ =	shalt  }
0x51: {  	_ =	shalt  }
0x52: {  	_ =	shalt  }
0x53: {  	_ =	shalt  }
0x54: {  	_ =	shalt  }
0x55: {  	_ =	shalt  }
0x56: {  	_ =	shalt  }
0x57: {  	_ =	shalt  }
0x58: {  	_ =	shalt  }
0x59: {  	_ =	shalt  }
0x5a: {  	_ =	shalt  }
0x5b: {  	_ =	shalt  }
0x5c: {  	_ =	shalt  }
0x5d: {  	_ =	shalt  }
0x5e: {  	_ =	shalt  }
0x5f: {  	_ =	shalt  }
0x60: {  	_ =	shalt  }
0x61: {  	_ =	shalt  }
0x62: {  	_ =	shalt  }
0x63: {  	_ =	shalt  }
0x64: {  	_ =	shalt  }
0x65: {  	_ =	shalt  }
0x66: {  	_ =	shalt  }
0x67: {  	_ =	shalt  }
0x68: {  	_ =	shalt  }
0x69: {  	_ =	shalt  }
0x6a: {  	_ =	shalt  }
0x6b: {  	_ =	shalt  }
0x6c: {  	_ =	shalt  }
0x6d: {  	_ =	shalt  }
0x6e: {  	_ =	shalt  }
0x6f: {  	_ =	shalt  }
0x70: {  	_ =	shalt  }
0x71: {  	_ =	shalt  }
0x72: {  	_ =	shalt  }
0x73: {  	_ =	shalt  }
0x74: {  	_ =	shalt  }
0x75: {  	_ =	shalt  }
0x76: {  	_ =	shalt  }
0x77: {  	_ =	shalt  }
0x78: {  	_ =	shalt  }
0x79: {  	_ =	shalt  }
0x7a: {  	_ =	shalt  }
0x7b: {  	_ =	shalt  }
0x7c: {  	_ =	shalt  }
0x7d: {  	_ =	shalt  }
0x7e: {  	_ =	shalt  }
0x7f: {  	_ =	shalt  }
0x80: {  	_ =	shalt  }
0x81: {  	_ =	shalt  }
0x82: {  	_ =	shalt  }
0x83: {  	_ =	shalt  }
0x84: {  	_ =	shalt  }
0x85: {  	_ =	shalt  }
0x86: {  	_ =	shalt  }
0x87: {  	_ =	shalt  }
.Lfunc_end0:
.L_simem_size_0:
called_computation_lowered:
.L_overlay_start_0:
0x88: {  	s2 =	sld [smem:$0x3FD9]  }
0x89: {  	s3 =	sld [smem:$0x3FFE];
	_ =	sdelay $0x1  }
0x8a: {  	s1 =	srdreg.scid  }
0x8b: {  	s0 =	sand.u32 $0x1, s1  }
0x8c: {  	s17 =	sshll.u32 s0, $0xA;
	s2 =	sadd.s32 s3, s2  }
0x8d: {  	s2 =	sadd.s32 s2, s17  }
0x8e: {  	[smem:$0x3FC4] =	sst s2  }
0x8f: {  	_ = 	snop  }
0x90: {  	s2 =	sld [smem:$0x3FC9]  }
0x91: {  	s18 =	sld [smem:$0x3FC8]  }
0x92: {  	s4 =	sld [smem:$0x3FD0];
	(tm) =	ssettm $0x1  }
0x93: {  	s5 =	sld [smem:$0x3FFB];
	_ =	sdelay $0x3  }
0x94: {  	_ =	strace s5  }
0x95: {  	s5 =	sld [smem:$0x3FFC];
	_ =	sdelay $0x3  }
0x96: {  	_ =	strace s5  }
0x97: {  	s5 =	sld [smem:$0x3FFD];
	_ =	sdelay $0x3  }
0x98: {  	_ =	strace s5  }
0x99: {  	_ =	strace $0x8FFFFFFF  }
0x9a: {  	s19 =	sld [smem:$0x3FDB];
	_ =	sdelay $0x1  }
0x9b: {  	s6 =	simm.s32 $_scs_section_size  }
0x9c: {  	s7 =	simm.s32 $_size__tile_overlayer_lowered;
	s8 =	simm.s32 $_tile_overlayer_lowered  }
0x9d: {  	s22 =	simm.s32 $0x1BFF;
	s21 =	sshll.u32 s8, $0x1;
	s5 =	sadd.s32 s6, s19  }
0x9e: {  	s9 =	simm.s32 $0x0;
	s20 =	sshll.u32 s7, $0x1;
	s7 =	sadd.s32 s21, s5  }
0x9f: {  	[timem:s9], [sflag:s22] =	dma.local [hbm:s7], s20  }
0xa0: {  	_ =	swait.ge [sflag:s22], s20  }
0xa1: {  	s6 =	ssub.s32 $0x0, s20;
	[sflag:s22] =	ssyncset.done $0x0  }
0xa2: {  	[sflag:s22] =	ssyncadd.s32 s6;
	_ =	sdelay $0x1  }
0xa3: {  	s23 =	simm.s32 $0x1B8B  }
0xa4: {  	_ =	swait.ge [sflag:s23], $0x1  }
0xa5: {  	[sflag:s23] =	ssyncset.done $0x0  }
0xa6: {  	s25 =	simm.s32 $0x1B8E;
	s24 =	sld [smem:$0x3FFE];
	[sflag:s23] =	ssyncadd.s32 $0xFFFFFFFF  }
0xa7: {  	s26 =	simm.s32 $execute0_lowered;
	[smem:$0x3FD2] =	sst s25  }
0xa8: {  	s7 =	sshll.u32 s26, $0x1;
	_ =	strace $0x80000046;
	[dreg:$0x1] =	wrdreg $0xFFFFFFFF  }
0xa9: {  	s28 =	simm.s32 $_size_execute0_lowered;
	s5 =	sadd.s32 s5, s7;
	[dreg:$0x0] =	wrdreg $0x0  }
0xaa: {  	s7 =	sshll.u32 s28, $0x1;
	[dreg:$0x2] =	wrdreg s5  }
0xab: {  	[dreg:$0x3] =	wrdreg s7  }
0xac: {  	[dreg:$0x4] =	wrdreg $0xC0  }
0xad: {  	_ =	task [dreg:s9], $0x5FFFF  }
0xae: {  	[dreg:$0x1] =	wrdreg $0xFFFFFFFF  }
0xaf: {  	[dreg:$0x0] =	wrdreg $0x60  }
0xb0: {  	[dreg:$0x2] =	wrdreg s2  }
0xb1: {  	[dreg:$0x3] =	wrdreg s18  }
0xb2: {  	[dreg:$0x4] =	wrdreg s24  }
0xb3: {  	[dreg:$0x5] =	wrdreg s4  }
0xb4: {  	[dreg:$0x6] =	wrdreg $0x9  }
0xb5: {  	_ =	task.clear_ibuf [dreg:s9], $0x7FFFF;
	_ =	strace $0x90000046  }
0xb6: {  	s29 =	simm.s32 $0x9;
	_ =	strace $0x80000048  }
0xb7: {  	_ =	swait.ge [sflag:s29], $0x1  }
0xb8: {  	[sflag:s29] =	ssyncadd.s32 $0xFFFFFFFF  }
0xb9: {  	_ =	strace $0x90000048  }
0xba: {  	_ =	sfence  }
0xbb: {  	s30 =	sld [smem:$0x0];
	_ =	sdelay $0x2  }
0xbc: {  	s31 =	sshll.u32 s1, $0xD;
	s1 =	sshrl.u32 s1, $0x2  }
0xbd: {  	s3 =	sand.u32 $0x4000, s31;
	s1 =	sadd.s32 s1, s30  }
0xbe: {  	s0 =	sor.u32 s3, s0;
	s1 =	sshll.u32 s1, $0x11  }
0xbf: {  	s0 =	sor.u32 s1, s0  }
0xc0: {  	s0 =	sadd.s32 $0x8F2B, s0  }
0xc1: {  	[sflag:s0] =	ssyncadd.remote.s32 $0x1  }
0xc2: {  	_ =	sfence.sel $0xFFFF  }
0xc3: {  	[dreg:$0x0] =	wrdreg $0xFFFFFFFF;
	(pc) =	sbr.abs _section_cstart, $3  }
0xc4: {  	[dreg:$0x1] =	wrdreg $0xFFFFFFFF  }
0xc5: {  	_ =	task.clear_ibuf [dreg:s9], $0x2FFFF;
	_ =	strace $0x9FFFFFFF  }
0xc6: {  	(tm) =	ssettm $0x7FFFFFFF  }
0xc7: {  	_ =	shalt  }
tec
execute0_lowered:
.L_overlay_start_1:
0x0: {  	(tag) =	ssettag $0x1  }
0x1: {  	s0 =	rddreg [dreg:$0x0]  }
0x2: {  	s1 =	rddreg [dreg:$0x1]  }
0x3: {  	s4 =	rddreg [dreg:$0x2];
	s3 =	srdreg.scid  }
0x4: {  	s2 =	simm.s32 $0x0;
	s7 =	stileid.u32;
	s3 =	sand.u32 $0x1, s3  }
0x5: {  	[smem:$0x7FF] =	sst s2;
	s7 =	sshll.u32 s7, $0x7;
	s8 =	sshll.u32 s3, $0x6  }
0x6: {  	s5 =	rddreg [dreg:$0x3];
	_ =	strace $0x80000047;
	s7 =	sor.u32 s8, s7  }
0x7: {  	s6 =	ssub.s32 $0x2, s3;
	s3 =	sadd.s32 $0x400, s4;
	s0 =	sadd.s32 s0, s7  }
0x8: {  	s9 =	sshrl.u32 s6, $0x1;
	s29 =	sadd.s32 s1, s7;
	[dreg:$0xe] =	wrdreg s0  }
0x9: {  	s6 =	ssub.s32 s6, s9;
	s30 =	sadd.s32 s5, s7;
	[dreg:$0xf] =	wrdreg s29  }
0xa: {  	s4 =	sadd.s32 $0xF42800, s4;
	[dreg:$0x10] =	wrdreg s30;
	s31 =	smax.u32 s6, $0x1  }
0xb: {  	v0 =	vlaneseq.u32;
	s1 =	simm.s32 $0x3;
	s5 =	simm.s32 $0x0;
	[dreg:$0x11] =	wrdreg s31  }
.LBB2_1:
0xc: {  	[dreg:$0x12] =	wrdreg s5  }
0xd: {  	s0 =	rddreg [dreg:$0xe]  }
0xe: {  	[tilespmem:s2], [sflag:$0x3] =	stream.linear.gather [hbm4b:s0+s2], $0x200, $0x38;
	[tilespmem:$0x10600] =	vst v63  }
0xf: {  	_ =	swait.ge [sflag:s1], $0x200  }
0x10: {  	[sflag:s1] =	ssyncset.done $0x0  }
0x11: {  	s31 =	simm.s32 $0x200;
	s30 =	rddreg [dreg:$0xf];
	[sflag:s1] =	ssyncadd.s32 $0xFFFFFE00  }
0x12: {  	[tilespmem:s31], [sflag:$0x3] =	stream.linear.gather [hbm4b:s30+s2], $0x200, $0x38;
	[tilespmem:$0x10600] =	vst v63  }
0x13: {  	_ =	swait.ge [sflag:s1], $0x200  }
0x14: {  	[sflag:s1] =	ssyncset.done $0x0  }
0x15: {  	p1 =	por $0x1, $0x1;
	s0 =	simm.s32 $0x0;
	[sflag:s1] =	ssyncadd.s32 $0xFFFFFE00  }
.LBB2_2:
0x16: {  	s19 =	sshll.u32 s0, $0x2  }
0x17: {  	[dreg:$0x13] =	wrdreg s0;
	s0 =	sshra.s32 s19, $0x2  }
0x18: {  	s21 =	sadd.s32 $0x200, s0;
	v1 =	vld [tilespmem:s0+$0x0]  }
0x19: {  	v3 =	vld [tilespmem:s21+$0x0];
	_ =	sdelay $0x3  }
0x1a: {  	v2 =	vshll.u32 v1, $0x4  }
0x1b: {  	v1 =	vshll.u32 v3, $0x4;
	(v2sf) =	vpush v2, $0x0  }
0x1c: {  	(v2sf) =	vpush v1, $0x0  }
0x1d: {  	(v2sf) =	vpush v2, $0x1;
	_ =	sdelay $0x2  }
0x1e: {  	(v2sf) =	vpush v1, $0x1;
	_ =	sdelay $0x1  }
0x1f: {  	(v2sf) =	vpush v2, $0x2;
	_ =	sdelay $0x1  }
0x20: {  	(v2sf) =	vpush v1, $0x2;
	_ =	sdelay $0x1  }
0x21: {  	s17 =	simm.s32 $0x2000;
	s16 =	simm.s32 $0x0;
	(v2sf) =	vpush v2, $0x3  }
0x22: {  	s7 =	simm.s32 $0x8400;
	s6 =	simm.s32 $0x680;
	s5 =	simm.s32 $0x880  }
0x23: {  	s1 =	simm.s32 $0x400;
	s9 =	simm.s32 $0x600;
	s23 =	simm.s32 $0x480;
	(v2sf) =	vpush v1, $0x3  }
0x24: {  	s25 =	simm.s32 $0x8480;
	s29 =	simm.s32 $0x500;
	s13 =	simm.s32 $0x580  }
0x25: {  	s18 =	simm.s32 $0x8580;
	p0 =	por p1, p1;
	s8 =	spop (v2sf)  }
0x26: {  	s21 =	sadd.s32 $0x10, s21;
	s8 =	sand.u32 $0x1FFFFFF0, s8;
	s10 =	spop (v2sf)  }
0x27: {  	(v2sf) =	vpush v2, $0x4;
	s8 =	sadd.s32 s3, s8;
	s10 =	sand.u32 $0x1FFFFFF0, s10;
	s11 =	spop (v2sf)  }
0x28: {  	[tilespmem:s1], [sflag:$0x1] =	stream.linear.gather [hbm4b:s8+s2], $0x80, $0x38;
	[tilespmem:$0x10600] =	vst v63  }
0x29: {  	(v2sf) =	vpush v1, $0x4;
	s1 =	simm.s32 $0x8900;
	s20 =	sadd.s32 s4, s10;
	s22 =	sand.u32 $0x1FFFFFF0, s11  }
0x2a: {  	s24 =	spop (v2sf);
	(v2sf) =	vpush v2, $0x5;
	s11 =	simm.s32 $0x8500;
	s10 =	sadd.s32 s3, s22  }
0x2b: {  	[tilespmem:s7], [sflag:$0x2] =	stream.linear.gather [hbm4b:s20+s2], $0x80, $0x38;
	[tilespmem:$0x10600] =	vst v63  }
0x2c: {  	s8 =	sand.u32 $0x1FFFFFF0, s24;
	s26 =	spop (v2sf);
	s24 =	simm.s32 $0x8600  }
0x2d: {  	(v2sf) =	vpush v1, $0x5;
	[tilespmem:s23], [sflag:$0x1] =	stream.linear.gather [hbm4b:s10+s2], $0x80, $0x38;
	[tilespmem:$0x10600] =	vst v63  }
0x2e: {  	s8 =	sadd.s32 s4, s8;
	s28 =	spop (v2sf);
	s10 =	sand.u32 $0x1FFFFFF0, s26  }
0x2f: {  	(v2sf) =	vpush v2, $0x6;
	[tilespmem:s25], [sflag:$0x2] =	stream.linear.gather [hbm4b:s8+s2], $0x80, $0x38;
	[tilespmem:$0x10600] =	vst v63  }
0x30: {  	s31 =	sand.u32 $0x1FFFFFF0, s28;
	s12 =	spop (v2sf);
	s30 =	sadd.s32 s3, s10  }
0x31: {  	(v2sf) =	vpush v1, $0x6;
	[tilespmem:s29], [sflag:$0x1] =	stream.linear.gather [hbm4b:s30+s2], $0x80, $0x38;
	[tilespmem:$0x10600] =	vst v63  }
0x32: {  	s14 =	spop (v2sf);
	s10 =	sadd.s32 s4, s31;
	s8 =	sand.u32 $0x1FFFFFF0, s12  }
0x33: {  	(v2sf) =	vpush v2, $0x7;
	[tilespmem:s11], [sflag:$0x2] =	stream.linear.gather [hbm4b:s10+s2], $0x80, $0x38;
	[tilespmem:$0x10600] =	vst v63  }
0x34: {  	s12 =	simm.s32 $0xA80;
	s8 =	sadd.s32 s3, s8;
	s10 =	sand.u32 $0x1FFFFFF0, s14  }
0x35: {  	[tilespmem:s13], [sflag:$0x1] =	stream.linear.gather [hbm4b:s8+s2], $0x80, $0x38;
	[tilespmem:$0x10600] =	vst v63  }
0x36: {  	s30 =	simm.s32 $0x8680;
	s19 =	sadd.s32 s4, s10;
	s15 =	spop (v2sf)  }
0x37: {  	(v2sf) =	vpush v1, $0x7;
	[tilespmem:s18], [sflag:$0x2] =	stream.linear.gather [hbm4b:s19+s2], $0x80, $0x38;
	[tilespmem:$0x10600] =	vst v63  }
0x38: {  	s14 =	simm.s32 $0x8700;
	s20 =	sand.u32 $0x1FFFFFF0, s15;
	s22 =	spop (v2sf)  }
0x39: {  	(v2sf) =	vpush v2, $0x8;
	s23 =	sadd.s32 s3, s20;
	s19 =	simm.s32 $0x780;
	s25 =	spop (v2sf)  }
0x3a: {  	(v2sf) =	vpush v1, $0x8;
	[tilespmem:s9], [sflag:$0x1] =	stream.linear.gather [hbm4b:s23+s2], $0x80, $0x38;
	[tilespmem:$0x10600] =	vst v63  }
0x3b: {  	s7 =	sand.u32 $0x1FFFFFF0, s22;
	s22 =	simm.s32 $0x8780;
	s9 =	sand.u32 $0x1FFFFFF0, s25  }
0x3c: {  	s7 =	sadd.s32 s4, s7;
	s26 =	spop (v2sf);
	(v2sf) =	vpush v2, $0x9;
	s28 =	sadd.s32 s3, s9  }
0x3d: {  	[tilespmem:s24], [sflag:$0x2] =	stream.linear.gather [hbm4b:s7+s2], $0x80, $0x38;
	[tilespmem:$0x10600] =	vst v63  }
0x3e: {  	s29 =	sand.u32 $0x1FFFFFF0, s26;
	s31 =	spop (v2sf);
	(v2sf) =	vpush v1, $0x9;
	s9 =	simm.s32 $0x700  }
0x3f: {  	[tilespmem:s6], [sflag:$0x1] =	stream.linear.gather [hbm4b:s28+s2], $0x80, $0x38;
	[tilespmem:$0x10600] =	vst v63  }
0x40: {  	s8 =	sadd.s32 s4, s29;
	(v2sf) =	vpush v2, $0xA;
	s7 =	sand.u32 $0x1FFFFFF0, s31;
	s10 =	spop (v2sf)  }
0x41: {  	[tilespmem:s30], [sflag:$0x2] =	stream.linear.gather [hbm4b:s8+s2], $0x80, $0x38;
	[tilespmem:$0x10600] =	vst v63  }
0x42: {  	s7 =	sadd.s32 s3, s7;
	s13 =	spop (v2sf);
	(v2sf) =	vpush v1, $0xA;
	s8 =	sand.u32 $0x1FFFFFF0, s10  }
0x43: {  	[tilespmem:s9], [sflag:$0x1] =	stream.linear.gather [hbm4b:s7+s2], $0x80, $0x38;
	[tilespmem:$0x10600] =	vst v63  }
0x44: {  	s25 =	simm.s32 $0x800;
	s18 =	sand.u32 $0x1FFFFFF0, s13;
	s15 =	sadd.s32 s4, s8  }
0x45: {  	[tilespmem:s14], [sflag:$0x2] =	stream.linear.gather [hbm4b:s15+s2], $0x80, $0x38;
	[tilespmem:$0x10600] =	vst v63  }
0x46: {  	s29 =	simm.s32 $0x8800;
	s8 =	sadd.s32 s3, s18;
	s20 =	spop (v2sf);
	(v2sf) =	vpush v2, $0xB  }
0x47: {  	[tilespmem:s19], [sflag:$0x1] =	stream.linear.gather [hbm4b:s8+s2], $0x80, $0x38;
	[tilespmem:$0x10600] =	vst v63  }
0x48: {  	s15 =	simm.s32 $0x8880;
	(v2sf) =	vpush v1, $0xB;
	s7 =	sand.u32 $0x1FFFFFF0, s20;
	s23 =	spop (v2sf)  }
0x49: {  	s7 =	sadd.s32 s4, s7;
	s8 =	sand.u32 $0x1FFFFFF0, s23;
	s24 =	spop (v2sf)  }
0x4a: {  	[tilespmem:s22], [sflag:$0x2] =	stream.linear.gather [hbm4b:s7+s2], $0x80, $0x38;
	[tilespmem:$0x10600] =	vst v63  }
0x4b: {  	s26 =	sadd.s32 s3, s8;
	s28 =	sand.u32 $0x1FFFFFF0, s24;
	s30 =	spop (v2sf)  }
0x4c: {  	[tilespmem:s25], [sflag:$0x1] =	stream.linear.gather [hbm4b:s26+s2], $0x80, $0x38;
	[tilespmem:$0x10600] =	vst v63  }
0x4d: {  	(v2sf) =	vpush v2, $0xC;
	s8 =	sadd.s32 s4, s28;
	s7 =	sand.u32 $0x1FFFFFF0, s30;
	s13 =	spop (v2sf)  }
0x4e: {  	(v2sf) =	vpush v1, $0xC;
	[tilespmem:s29], [sflag:$0x2] =	stream.linear.gather [hbm4b:s8+s2], $0x80, $0x38;
	[tilespmem:$0x10600] =	vst v63  }
0x4f: {  	s7 =	sadd.s32 s3, s7;
	s14 =	spop (v2sf);
	s8 =	sand.u32 $0x1FFFFFF0, s13  }
0x50: {  	[tilespmem:s5], [sflag:$0x1] =	stream.linear.gather [hbm4b:s7+s2], $0x80, $0x38;
	[tilespmem:$0x10600] =	vst v63  }
0x51: {  	s19 =	sand.u32 $0x1FFFFFF0, s14;
	s22 =	spop (v2sf);
	s18 =	sadd.s32 s4, s8  }
0x52: {  	[tilespmem:s15], [sflag:$0x2] =	stream.linear.gather [hbm4b:s18+s2], $0x80, $0x38;
	[tilespmem:$0x10600] =	vst v63  }
0x53: {  	s20 =	simm.s32 $0x900;
	s8 =	sadd.s32 s3, s19;
	s23 =	sand.u32 $0x1FFFFFF0, s22  }
0x54: {  	[tilespmem:s20], [sflag:$0x1] =	stream.linear.gather [hbm4b:s8+s2], $0x80, $0x38;
	[tilespmem:$0x10600] =	vst v63  }
0x55: {  	s11 =	simm.s32 $0x8A00;
	s5 =	sadd.s32 s4, s23;
	s24 =	spop (v2sf)  }
0x56: {  	[tilespmem:s1], [sflag:$0x2] =	stream.linear.gather [hbm4b:s5+s2], $0x80, $0x38;
	[tilespmem:$0x10600] =	vst v63  }
0x57: {  	s31 =	simm.s32 $0x8980;
	s7 =	sand.u32 $0x1FFFFFF0, s24;
	s25 =	spop (v2sf)  }
0x58: {  	s26 =	simm.s32 $0x980;
	(v2sf) =	vpush v2, $0xD;
	s28 =	sadd.s32 s3, s7;
	s29 =	sand.u32 $0x1FFFFFF0, s25  }
0x59: {  	(v2sf) =	vpush v1, $0xD;
	[tilespmem:s26], [sflag:$0x1] =	stream.linear.gather [hbm4b:s28+s2], $0x80, $0x38;
	[tilespmem:$0x10600] =	vst v63  }
0x5a: {  	s10 =	simm.s32 $0x8A80;
	s23 =	simm.s32 $0x8B00;
	(v2sf) =	vpush v2, $0xE;
	s30 =	sadd.s32 s4, s29  }
0x5b: {  	(v2sf) =	vpush v1, $0xE;
	[tilespmem:s31], [sflag:$0x2] =	stream.linear.gather [hbm4b:s30+s2], $0x80, $0x38;
	[tilespmem:$0x10600] =	vst v63  }
0x5c: {  	s20 =	sadd.s32 $0x10, s0;
	s24 =	simm.s32 $0xB00;
	(v2sf) =	vpush v2, $0xF;
	s31 =	spop (v2sf)  }
0x5d: {  	s25 =	simm.s32 $0xA00;
	(v2sf) =	vpush v1, $0xF;
	s0 =	sand.u32 $0x1FFFFFF0, s31;
	s1 =	spop (v2sf)  }
.LBB2_3:
0x5e: {  	_ =	sdelay $0x4  }
0x5f: {  	s0 =	sadd.s32 s3, s0;
	s1 =	sand.u32 $0x1FFFFFF0, s1  }
0x60: {  	[tilespmem:s25], [sflag:$0x1] =	stream.linear.gather [hbm4b:s0+s2], $0x80, $0x38;
	[tilespmem:$0x10600] =	vst v63  }
0x61: {  	s29 =	sadd.s32 s4, s1  }
0x62: {  	[tilespmem:s11], [sflag:$0x2] =	stream.linear.gather [hbm4b:s29+s2], $0x80, $0x38;
	[tilespmem:$0x10600] =	vst v63  }
0x63: {  	s5 =	spop (v2sf)  }
0x64: {  	s30 =	sand.u32 $0x1FFFFFF0, s5;
	s31 =	spop (v2sf)  }
0x65: {  	s1 =	sadd.s32 s3, s30;
	s5 =	sand.u32 $0x1FFFFFF0, s31;
	s6 =	spop (v2sf)  }
0x66: {  	[tilespmem:s12], [sflag:$0x1] =	stream.linear.gather [hbm4b:s1+s2], $0x80, $0x38;
	[tilespmem:$0x10600] =	vst v63  }
0x67: {  	s7 =	sadd.s32 s4, s5;
	s8 =	sand.u32 $0x1FFFFFF0, s6;
	s9 =	spop (v2sf)  }
0x68: {  	[tilespmem:s10], [sflag:$0x2] =	stream.linear.gather [hbm4b:s7+s2], $0x80, $0x38;
	[tilespmem:$0x10600] =	vst v63  }
0x69: {  	s11 =	sand.u32 $0x1FFFFFF0, s9;
	s12 =	spop (v2sf);
	s10 =	sadd.s32 s3, s8  }
0x6a: {  	[tilespmem:s24], [sflag:$0x1] =	stream.linear.gather [hbm4b:s10+s2], $0x80, $0x38;
	[tilespmem:$0x10600] =	vst v63  }
0x6b: {  	s13 =	sadd.s32 s4, s11;
	s14 =	sand.u32 $0x1FFFFFF0, s12;
	s15 =	spop (v2sf)  }
0x6c: {  	[tilespmem:s23], [sflag:$0x2] =	stream.linear.gather [hbm4b:s13+s2], $0x80, $0x38;
	[tilespmem:$0x10600] =	vst v63  }
0x6d: {  	s18 =	sadd.s32 $0xB80, s16;
	s1 =	sadd.s32 s3, s14;
	s5 =	sand.u32 $0x1FFFFFF0, s15  }
0x6e: {  	[tilespmem:s18], [sflag:$0x1] =	stream.linear.gather [hbm4b:s1+s2], $0x80, $0x38;
	[tilespmem:$0x10600] =	vst v63  }
0x6f: {  	s19 =	sadd.s32 $0x8B80, s16;
	s22 =	sadd.s32 s4, s5  }
0x70: {  	[tilespmem:s19], [sflag:$0x2] =	stream.linear.gather [hbm4b:s22+s2], $0x80, $0x38;
	[tilespmem:$0x10600] =	vst v63  }
0x71: {  	v1 =	vld [tilespmem:s20+$0x0]  }
0x72: {  	v3 =	vld [tilespmem:s21+$0x0];
	_ =	sdelay $0x3  }
0x73: {  	v2 =	vshll.u32 v1, $0x4  }
0x74: {  	s23 =	smov.u32 s17;
	v1 =	vshll.u32 v3, $0x4;
	(v2sf) =	vpush v2, $0x0  }
0x75: {  	s16 =	sshra.s32 s23, $0x2;
	(v2sf) =	vpush v1, $0x0  }
0x76: {  	p1 =	sne.s32 s17, $0x1E000;
	s17 =	sadd.s32 $0x2000, s17;
	s28 =	sadd.s32 $0x8400, s16;
	(v2sf) =	vpush v2, $0x1  }
0x77: {  	s13 =	sadd.s32 $0x680, s16;
	s0 =	sadd.s32 $0x880, s16;
	s30 =	sadd.s32 $0x400, s16  }
0x78: {  	s14 =	sadd.s32 $0x600, s16;
	s24 =	sadd.s32 $0x8900, s16;
	s15 =	sadd.s32 $0x580, s16;
	(v2sf) =	vpush v1, $0x1  }
0x79: {  	s12 =	sadd.s32 $0x8580, s16;
	s25 =	sadd.s32 $0x8A00, s16;
	s18 =	sadd.s32 $0x500, s16  }
0x7a: {  	s11 =	sadd.s32 $0x8600, s16;
	s1 =	sadd.s32 $0xA80, s16;
	s29 =	sadd.s32 $0x8480, s16;
	(v2sf) =	vpush v2, $0x2  }
0x7b: {  	s9 =	sadd.s32 $0x8680, s16;
	s8 =	sadd.s32 $0x700, s16;
	[dreg:$0x7] =	wrdreg s0  }
0x7c: {  	s26 =	sadd.s32 $0x8980, s16;
	s10 =	sadd.s32 $0x8A80, s16;
	[dreg:$0x5] =	wrdreg s24;
	(v2sf) =	vpush v1, $0x2  }
0x7d: {  	s7 =	sadd.s32 $0x8700, s16;
	s31 =	sadd.s32 $0x8880, s16;
	[dreg:$0xc] =	wrdreg s25  }
0x7e: {  	s6 =	sadd.s32 $0x900, s16;
	s5 =	sadd.s32 $0x8780, s16;
	[dreg:$0x6] =	wrdreg s26;
	(v2sf) =	vpush v2, $0x3  }
0x7f: {  	s23 =	sadd.s32 $0x8B00, s16;
	s0 =	sadd.s32 $0x8500, s16;
	[dreg:$0x9] =	wrdreg s31  }
0x80: {  	[dreg:$0x8] =	wrdreg s6;
	s6 =	sadd.s32 $0x780, s16;
	s25 =	sadd.s32 $0xA00, s16;
	(v2sf) =	vpush v1, $0x3  }
0x81: {  	s31 =	sadd.s32 $0x480, s16;
	s24 =	sadd.s32 $0xB00, s16;
	s19 =	sadd.s32 $0x8800, s16  }
0x82: {  	s22 =	sadd.s32 $0x980, s16;
	[dreg:$0xb] =	wrdreg s19;
	s19 =	sadd.s32 $0x800, s16;
	(v2sf) =	vpush v2, $0x4  }
0x83: {  	s20 =	sadd.s32 $0x10, s20;
	[dreg:$0xa] =	wrdreg s22;
	s26 =	spop (v2sf)  }
0x84: {  	[dreg:$0xd] =	wrdreg s19;
	s26 =	sand.u32 $0x1FFFFFF0, s26;
	s22 =	spop (v2sf);
	(v2sf) =	vpush v1, $0x4  }
0x85: {  	s26 =	sadd.s32 s3, s26;
	s19 =	sand.u32 $0x1FFFFFF0, s22;
	s22 =	spop (v2sf)  }
0x86: {  	(v2sf) =	vpush v2, $0x5;
	[tilespmem:s30], [sflag:$0x1] =	stream.linear.gather [hbm4b:s26+s2], $0x80, $0x38;
	[tilespmem:$0x10600] =	vst v63  }
0x87: {  	s19 =	sadd.s32 s4, s19;
	s22 =	sand.u32 $0x1FFFFFF0, s22;
	s30 =	spop (v2sf);
	(v2sf) =	vpush v1, $0x5  }
0x88: {  	[tilespmem:s28], [sflag:$0x2] =	stream.linear.gather [hbm4b:s19+s2], $0x80, $0x38;
	[tilespmem:$0x10600] =	vst v63  }
0x89: {  	s22 =	sadd.s32 s3, s22;
	s28 =	sand.u32 $0x1FFFFFF0, s30;
	s30 =	spop (v2sf)  }
0x8a: {  	(v2sf) =	vpush v2, $0x6;
	[tilespmem:s31], [sflag:$0x1] =	stream.linear.gather [hbm4b:s22+s2], $0x80, $0x38;
	[tilespmem:$0x10600] =	vst v63  }
0x8b: {  	s26 =	sand.u32 $0x1FFFFFF0, s30;
	s22 =	sadd.s32 s4, s28;
	s28 =	spop (v2sf)  }
0x8c: {  	(v2sf) =	vpush v1, $0x6;
	[tilespmem:s29], [sflag:$0x2] =	stream.linear.gather [hbm4b:s22+s2], $0x80, $0x38;
	[tilespmem:$0x10600] =	vst v63  }
0x8d: {  	s30 =	sand.u32 $0x1FFFFFF0, s28;
	s31 =	spop (v2sf);
	s29 =	sadd.s32 s3, s26  }
0x8e: {  	(v2sf) =	vpush v2, $0x7;
	[tilespmem:s18], [sflag:$0x1] =	stream.linear.gather [hbm4b:s29+s2], $0x80, $0x38;
	[tilespmem:$0x10600] =	vst v63  }
0x8f: {  	s22 =	sadd.s32 s4, s30;
	s26 =	sand.u32 $0x1FFFFFF0, s31;
	s28 =	spop (v2sf)  }
0x90: {  	(v2sf) =	vpush v1, $0x7;
	[tilespmem:s0], [sflag:$0x2] =	stream.linear.gather [hbm4b:s22+s2], $0x80, $0x38;
	[tilespmem:$0x10600] =	vst v63  }
0x91: {  	s30 =	sand.u32 $0x1FFFFFF0, s28;
	s31 =	spop (v2sf);
	s29 =	sadd.s32 s3, s26  }
0x92: {  	[tilespmem:s15], [sflag:$0x1] =	stream.linear.gather [hbm4b:s29+s2], $0x80, $0x38;
	[tilespmem:$0x10600] =	vst v63  }
0x93: {  	s26 =	sand.u32 $0x1FFFFFF0, s31;
	s22 =	sadd.s32 s4, s30;
	s28 =	spop (v2sf)  }
0x94: {  	(v2sf) =	vpush v2, $0x8;
	[tilespmem:s12], [sflag:$0x2] =	stream.linear.gather [hbm4b:s22+s2], $0x80, $0x38;
	[tilespmem:$0x10600] =	vst v63  }
0x95: {  	s21 =	sadd.s32 $0x10, s21;
	s29 =	sadd.s32 s3, s26;
	s31 =	spop (v2sf)  }
0x96: {  	(v2sf) =	vpush v1, $0x8;
	s30 =	sand.u32 $0x1FFFFFF0, s28;
	s12 =	smov.u32 s1;
	s19 =	spop (v2sf)  }
0x97: {  	[tilespmem:s14], [sflag:$0x1] =	stream.linear.gather [hbm4b:s29+s2], $0x80, $0x38;
	[tilespmem:$0x10600] =	vst v63  }
0x98: {  	(v2sf) =	vpush v2, $0x9;
	s18 =	sand.u32 $0x1FFFFFF0, s31;
	s14 =	sadd.s32 s4, s30;
	s26 =	sand.u32 $0x1FFFFFF0, s19  }
0x99: {  	(v2sf) =	vpush v1, $0x9;
	s22 =	sadd.s32 s3, s18;
	s28 =	spop (v2sf);
	s29 =	sadd.s32 s4, s26  }
0x9a: {  	[tilespmem:s11], [sflag:$0x2] =	stream.linear.gather [hbm4b:s14+s2], $0x80, $0x38;
	[tilespmem:$0x10600] =	vst v63  }
0x9b: {  	s30 =	sand.u32 $0x1FFFFFF0, s28;
	s11 =	rddreg [dreg:$0xc];
	s31 =	spop (v2sf)  }
0x9c: {  	[tilespmem:s13], [sflag:$0x1] =	stream.linear.gather [hbm4b:s22+s2], $0x80, $0x38;
	[tilespmem:$0x10600] =	vst v63  }
0x9d: {  	(v2sf) =	vpush v2, $0xA;
	s13 =	sadd.s32 s3, s30;
	s14 =	sand.u32 $0x1FFFFFF0, s31;
	s15 =	spop (v2sf)  }
0x9e: {  	[tilespmem:s9], [sflag:$0x2] =	stream.linear.gather [hbm4b:s29+s2], $0x80, $0x38;
	[tilespmem:$0x10600] =	vst v63  }
0x9f: {  	(v2sf) =	vpush v1, $0xA;
	s18 =	sadd.s32 s4, s14;
	s19 =	sand.u32 $0x1FFFFFF0, s15;
	s22 =	spop (v2sf)  }
0xa0: {  	[tilespmem:s8], [sflag:$0x1] =	stream.linear.gather [hbm4b:s13+s2], $0x80, $0x38;
	[tilespmem:$0x10600] =	vst v63  }
0xa1: {  	(v2sf) =	vpush v2, $0xB;
	s15 =	rddreg [dreg:$0xb];
	s26 =	sadd.s32 s3, s19;
	s28 =	sand.u32 $0x1FFFFFF0, s22  }
0xa2: {  	[tilespmem:s7], [sflag:$0x2] =	stream.linear.gather [hbm4b:s18+s2], $0x80, $0x38;
	[tilespmem:$0x10600] =	vst v63  }
0xa3: {  	(v2sf) =	vpush v1, $0xB;
	s29 =	spop (v2sf);
	s30 =	sadd.s32 s4, s28;
	s8 =	rddreg [dreg:$0xd]  }
0xa4: {  	[tilespmem:s6], [sflag:$0x1] =	stream.linear.gather [hbm4b:s26+s2], $0x80, $0x38;
	[tilespmem:$0x10600] =	vst v63  }
0xa5: {  	s31 =	sand.u32 $0x1FFFFFF0, s29;
	s1 =	spop (v2sf);
	s26 =	rddreg [dreg:$0x7]  }
0xa6: {  	(v2sf) =	vpush v2, $0xC;
	[tilespmem:s5], [sflag:$0x2] =	stream.linear.gather [hbm4b:s30+s2], $0x80, $0x38;
	[tilespmem:$0x10600] =	vst v63  }
0xa7: {  	s6 =	sand.u32 $0x1FFFFFF0, s1;
	s7 =	spop (v2sf);
	s5 =	sadd.s32 s3, s31  }
0xa8: {  	(v2sf) =	vpush v1, $0xC;
	s9 =	sadd.s32 s4, s6;
	s13 =	sand.u32 $0x1FFFFFF0, s7;
	s14 =	spop (v2sf)  }
0xa9: {  	[tilespmem:s8], [sflag:$0x1] =	stream.linear.gather [hbm4b:s5+s2], $0x80, $0x38;
	[tilespmem:$0x10600] =	vst v63  }
0xaa: {  	s31 =	rddreg [dreg:$0x9];
	s18 =	sadd.s32 s3, s13;
	s19 =	sand.u32 $0x1FFFFFF0, s14  }
0xab: {  	[tilespmem:s15], [sflag:$0x2] =	stream.linear.gather [hbm4b:s9+s2], $0x80, $0x38;
	[tilespmem:$0x10600] =	vst v63  }
0xac: {  	s13 =	rddreg [dreg:$0x8];
	s22 =	spop (v2sf);
	s28 =	sadd.s32 s4, s19  }
0xad: {  	[tilespmem:s26], [sflag:$0x1] =	stream.linear.gather [hbm4b:s18+s2], $0x80, $0x38;
	[tilespmem:$0x10600] =	vst v63  }
0xae: {  	s19 =	rddreg [dreg:$0x5];
	s29 =	sand.u32 $0x1FFFFFF0, s22;
	s30 =	spop (v2sf)  }
0xaf: {  	[tilespmem:s31], [sflag:$0x2] =	stream.linear.gather [hbm4b:s28+s2], $0x80, $0x38;
	[tilespmem:$0x10600] =	vst v63  }
0xb0: {  	s7 =	sadd.s32 s3, s29;
	s8 =	sand.u32 $0x1FFFFFF0, s30;
	s9 =	spop (v2sf)  }
0xb1: {  	[tilespmem:s13], [sflag:$0x1] =	stream.linear.gather [hbm4b:s7+s2], $0x80, $0x38;
	[tilespmem:$0x10600] =	vst v63  }
0xb2: {  	s29 =	rddreg [dreg:$0xa];
	s14 =	sadd.s32 s4, s8;
	s18 =	spop (v2sf)  }
0xb3: {  	(v2sf) =	vpush v2, $0xD;
	[tilespmem:s19], [sflag:$0x2] =	stream.linear.gather [hbm4b:s14+s2], $0x80, $0x38;
	[tilespmem:$0x10600] =	vst v63  }
.Ltmp0:
0xb4: {  	(v2sf) =	vpush v1, $0xD;
	s15 =	sand.u32 $0x1FFFFFF0, s9;
	s26 =	sand.u32 $0x1FFFFFF0, s18;
	(pc) =	sbr.rel @p1 .LBB2_3-.Ltmp0, $4  }
0xb5: {  	(v2sf) =	vpush v2, $0xE;
	s22 =	sadd.s32 s3, s15;
	s28 =	spop (v2sf);
	s30 =	sadd.s32 s4, s26  }
0xb6: {  	(v2sf) =	vpush v1, $0xE;
	[tilespmem:s29], [sflag:$0x1] =	stream.linear.gather [hbm4b:s22+s2], $0x80, $0x38;
	[tilespmem:$0x10600] =	vst v63  }
0xb7: {  	(v2sf) =	vpush v2, $0xF;
	s31 =	rddreg [dreg:$0x6];
	s0 =	sand.u32 $0x1FFFFFF0, s28;
	s1 =	spop (v2sf)  }
0xb8: {  	(v2sf) =	vpush v1, $0xF;
	[tilespmem:s31], [sflag:$0x2] =	stream.linear.gather [hbm4b:s30+s2], $0x80, $0x38;
	[tilespmem:$0x10600] =	vst v63  }
0xb9: {  	_ =	sdelay $0x4  }
0xba: {  	s0 =	sadd.s32 s3, s0;
	s1 =	sand.u32 $0x1FFFFFF0, s1  }
0xbb: {  	[tilespmem:s25], [sflag:$0x1] =	stream.linear.gather [hbm4b:s0+s2], $0x80, $0x38;
	[tilespmem:$0x10600] =	vst v63  }
0xbc: {  	s6 =	sadd.s32 s4, s1  }
0xbd: {  	[tilespmem:s11], [sflag:$0x2] =	stream.linear.gather [hbm4b:s6+s2], $0x80, $0x38;
	[tilespmem:$0x10600] =	vst v63  }
0xbe: {  	s5 =	spop (v2sf)  }
0xbf: {  	s7 =	sand.u32 $0x1FFFFFF0, s5;
	s8 =	spop (v2sf)  }
0xc0: {  	s9 =	sadd.s32 s3, s7;
	s11 =	sand.u32 $0x1FFFFFF0, s8;
	s13 =	spop (v2sf)  }
0xc1: {  	[tilespmem:s12], [sflag:$0x1] =	stream.linear.gather [hbm4b:s9+s2], $0x80, $0x38;
	[tilespmem:$0x10600] =	vst v63  }
0xc2: {  	s14 =	sadd.s32 s4, s11;
	s15 =	sand.u32 $0x1FFFFFF0, s13;
	s17 =	spop (v2sf)  }
0xc3: {  	[tilespmem:s10], [sflag:$0x2] =	stream.linear.gather [hbm4b:s14+s2], $0x80, $0x38;
	[tilespmem:$0x10600] =	vst v63  }
0xc4: {  	s18 =	sadd.s32 s3, s15;
	s19 =	sand.u32 $0x1FFFFFF0, s17;
	s20 =	spop (v2sf)  }
0xc5: {  	[tilespmem:s24], [sflag:$0x1] =	stream.linear.gather [hbm4b:s18+s2], $0x80, $0x38;
	[tilespmem:$0x10600] =	vst v63  }
0xc6: {  	s21 =	sadd.s32 s4, s19;
	s22 =	sand.u32 $0x1FFFFFF0, s20;
	s24 =	spop (v2sf)  }
0xc7: {  	[tilespmem:s23], [sflag:$0x2] =	stream.linear.gather [hbm4b:s21+s2], $0x80, $0x38;
	[tilespmem:$0x10600] =	vst v63  }
0xc8: {  	s25 =	sadd.s32 $0xB80, s16;
	s1 =	sadd.s32 s3, s22;
	s5 =	sand.u32 $0x1FFFFFF0, s24  }
0xc9: {  	[tilespmem:s25], [sflag:$0x1] =	stream.linear.gather [hbm4b:s1+s2], $0x80, $0x38;
	[tilespmem:$0x10600] =	vst v63  }
0xca: {  	s26 =	sadd.s32 $0x8B80, s16;
	s29 =	simm.s32 $0x1;
	s28 =	sadd.s32 s4, s5  }
0xcb: {  	[tilespmem:s26], [sflag:$0x2] =	stream.linear.gather [hbm4b:s28+s2], $0x80, $0x38;
	[tilespmem:$0x10600] =	vst v63  }
0xcc: {  	_ =	swait.ge [sflag:s29], $0x8000  }
0xcd: {  	[sflag:s29] =	ssyncset.done $0x0  }
0xce: {  	s30 =	simm.s32 $0x2;
	[sflag:s29] =	ssyncadd.s32 $0xFFFF8000  }
0xcf: {  	s6 =	simm.s32 $0x8410;
	s7 =	simm.s32 $0x0;
	_ =	swait.ge [sflag:s30], $0x8000  }
0xd0: {  	s5 =	simm.s32 $0x410;
	[sflag:s30] =	ssyncset.done $0x0;
	s31 =	rddreg [dreg:$0x13]  }
0xd1: {  	s1 =	simm.s32 $0x0;
	[sflag:s30] =	ssyncadd.s32 $0xFFFF8000;
	s0 =	sadd.s32 $0x10400, s31  }
.LBB2_5:
0xd2: {  	v1 =	vld [tilespmem:s5+$0xFFFFFFF0]  }
0xd3: {  	v2 =	vld [tilespmem:s5+$0x0]  }
0xd4: {  	v3 =	vld [tilespmem:s6+$0xFFFFFFF0]  }
0xd5: {  	v4 =	vld [tilespmem:s6+$0x0];
	_ =	sdelay $0x4  }
0xd6: {  	v1 =	vmul.f32 v3, v1;
	v2 =	vmul.f32 v4, v2  }
0xd7: {  	s9 =	sadd.s32 $0x80, s6  }
0xd8: {  	s8 =	sadd.s32 $0x80, s5;
	v5 =	vld [tilespmem:s9+$0x0];
	v1 =	vadd.f32 v2, v1  }
0xd9: {  	v3 =	vld [tilespmem:s8+$0xFFFFFFF0]  }
0xda: {  	v4 =	vld [tilespmem:s8+$0x0];
	(xrf2) =	vadd.scan.msk.f32 $0xffff, v1  }
0xdb: {  	v2 =	vld [tilespmem:s9+$0xFFFFFFF0];
	_ =	sdelay $0x1  }
0xdc: {  	s8 =	sadd.s32 $0x80, s8  }
0xdd: {  	v6 =	vld [tilespmem:s8+$0x0];
	s9 =	sadd.s32 $0x80, s9  }
0xde: {  	v7 =	vld [tilespmem:s9+$0xFFFFFFF0]  }
0xdf: {  	v8 =	vld [tilespmem:s9+$0x0];
	v2 =	vmul.f32 v2, v3;
	v3 =	vmul.f32 v5, v4  }
0xe0: {  	v1 =	vld [tilespmem:s8+$0xFFFFFFF0]  }
0xe1: {  	v5 =	vadd.f32 v3, v2  }
0xe2: {  	s13 =	sadd.s32 $0x80, s8  }
0xe3: {  	v4 =	vld [tilespmem:s13+$0xFFFFFFF0];
	v9, _, _ =	vpop (xrf2);
	(xrf2) =	vadd.scan.msk.f32 $0xffff, v5  }
0xe4: {  	s11 =	sadd.s32 $0x80, s9;
	v2 =	vld [tilespmem:s13+$0x0]  }
0xe5: {  	v6 =	vmul.f32 v8, v6;
	v7 =	vmul.f32 v7, v1;
	v3 =	vld [tilespmem:s11+$0xFFFFFFF0]  }
0xe6: {  	v5 =	vld [tilespmem:s11+$0x0]  }
0xe7: {  	s10 =	simm.s32 $0x1;
	s12 =	simm.s32 $0x4;
	v7 =	vadd.f32 v6, v7  }
0xe8: {  	s9 =	simm.s32 $0x2;
	s8 =	simm.s32 $0x3;
	v8 =	vmov s1;
	v1 =	vimm.f32 $0.0e+00;
	s13 =	sadd.s32 $0x80, s13;
	v6 =	vbroadcast v9, $0xF  }
.LBB2_6:
0xe9: {  	v9 =	vld [tilespmem:s13+$0xFFFFFFF0];
	(xrf2) =	vadd.scan.msk.f32 $0xffff, v7;
	vm0 =	veq.s32 v8, v0;
	v7 =	vmov v2;
	s14 =	smov.u32 s8;
	s8 =	smov.u32 s12;
	p1 =	sne.s32 s12, $0xF  }
.Ltmp1:
0xea: {  	s11 =	sadd.s32 $0x80, s11;
	v2 =	vld [tilespmem:s13+$0x0];
	v1 =	vsel vm0, v6, v1;
	(pc) =	sbr.rel @p1 .LBB2_6-.Ltmp1, $4  }
0xeb: {  	v8 =	vmul.f32 v3, v4;
	v3 =	vld [tilespmem:s11+$0xFFFFFFF0];
	v6 =	vmul.f32 v5, v7  }
0xec: {  	s12 =	sadd.s32 $0x1, s12;
	v5 =	vld [tilespmem:s11+$0x0]  }
0xed: {  	v7 =	vadd.f32 v6, v8;
	v4, _, _ =	vpop (xrf2)  }
0xee: {  	s13 =	sadd.s32 $0x80, s13;
	v8 =	vmov s10;
	s10 =	smov.u32 s9;
	s9 =	smov.u32 s14;
	v6 =	vbroadcast v4, $0xF;
	v4 =	vmov v9  }
0xef: {  	_ =	sdelay $0x1  }
0xf0: {  	v3 =	vmul.f32 v3, v4;
	v2 =	vmul.f32 v5, v2;
	_ =	sdelay $0x1  }
0xf1: {  	v2 =	vadd.f32 v2, v3  }
0xf2: {  	(xrf2) =	vadd.scan.msk.f32 $0xffff, v7  }
0xf3: {  	(xrf2) =	vadd.scan.msk.f32 $0xffff, v2;
	_ =	sdelay $0x5  }
0xf4: {  	v3 =	vmov s10  }
0xf5: {  	v2, _, _ =	vpop (xrf2)  }
0xf6: {  	vm0 =	veq.s32 v8, v0;
	s30 =	sshll.u32 s7, $0x4;
	s7 =	sadd.s32 $0x1, s7;
	v2 =	vbroadcast v2, $0xF  }
0xf7: {  	v1 =	vsel vm0, v6, v1;
	p1 =	sne.s32 s7, $0x10;
	vm13 =	veq.s32 v3, v0;
	v3, _, _ =	vpop (xrf2)  }
.Ltmp2:
0xf8: {  	v1 =	vsel vm13, v2, v1;
	v2 =	vmov s9;
	v3 =	vbroadcast v3, $0xF;
	v63, _, _ =	vpop (xrf2);
	(pc) =	sbr.rel @p1 .LBB2_5-.Ltmp2, $4  }
0xf9: {  	s31 =	sand.u32 $0x80, s30;
	vm14 =	veq.s32 v2, v0;
	v2 =	vmov s8;
	v4 =	vbroadcast v63, $0xF  }
0xfa: {  	s9 =	sand.u32 $0x70, s30;
	s8 =	sadd.s32 s31, s0;
	v1 =	vsel vm14, v3, v1;
	vm15 =	veq.s32 v2, v0  }
0xfb: {  	s8 =	sadd.s32 s9, s8;
	v1 =	vsel vm15, v4, v1  }
0xfc: {  	s5 =	sadd.s32 $0x800, s5;
	s6 =	sadd.s32 $0x800, s6;
	[tilespmem:s8+$0x0] =	vst v1  }
.Ltmp3:
0xfd: {  	(pc) =	sbr.rel @p0 .LBB2_2-.Ltmp3, $2  }
0xfe: {  	_ =	sdelay $0x2  }
0xff: {  	s0 =	simm.s32 $0x100;
	p1 =	por $0x0, $0x0  }
0x100: {  	s0 =	rddreg [dreg:$0x10];
	s1 =	simm.s32 $0x10400  }
0x101: {  	[hbm4b:s0+s2] =	stream.linear.scatter [tilespmem:s1], [sflag:$0x3], $0x200, $0x38;
	[tilespmem:$0x10600] =	vst v63  }
0x102: {  	s1 =	simm.s32 $0x3  }
0x103: {  	_ =	swait.ge [sflag:s1], $0x200  }
0x104: {  	s5 =	rddreg [dreg:$0x12]  }
0x105: {  	s31 =	rddreg [dreg:$0x11];
	s5 =	sadd.s32 $0x1, s5  }
0x106: {  	p0 =	sne.s32 s5, s31  }
.Ltmp4:
0x107: {  	_ = 	snop;
	(pc) =	sbr.rel @p0 .LBB2_1-.Ltmp4, $3  }
0x108: {  	_ =	sdelay $0x1  }
0x109: {  	[sflag:s1] =	ssyncset.done $0x0  }
0x10a: {  	[sflag:s1] =	ssyncadd.s32 $0xFFFFFE00  }
0x10b: {  	_ =	sfence.sel $0x180000  }
0x10c: {  	[bflag:$0x0] =	sbarrier.arrive $0xFFFF  }
0x10d: {  	_ =	strace $0x90000047  }
0x10e: {  	s0 =	stileid.u32;
	[bflag:$0x2] =	sbarrier.arrive $0xFFFF  }
0x10f: {  	p0 =	sne.s32 s0, $0x0;
	s0 =	rddreg [dreg:$0x4]  }
0x110: {  	s0 =	sadd.s32 @!p0 $0x100000, s0  }
0x111: {  	[sflag:s0] =	ssyncadd.tile.s32 @!p0 $0x1;
	_ =	shalt  }
.Lfunc_end2:
_tile_overlayer_lowered:
.L_overlay_start_2:
0x112: {  	(tag) =	ssettag $0x2  }
0x113: {  	s0 =	rddreg [dreg:$0x0];
	s2 =	stileid.u32  }
0x114: {  	s1 =	rddreg [dreg:$0x1];
	p0 =	sne.s32 s2, $0x0  }
0x115: {  	s3 =	rddreg [dreg:$0x2];
	[bflag:$0x3] =	sbarrier.arrive $0xFFFF;
	s2 =	simm.s32 @!p0 $0x1C03  }
0x116: {  	[timem:s3], [sflag:s2] =	dma.local @!p0 [hbm:s0], s1  }
0x117: {  	s0 =	simm.s32 @!p0 $0x3  }
0x118: {  	_ =	swait.ge @!p0 [sflag:s0], s1  }
0x119: {  	s1 =	ssub.s32 @!p0 $0x0, s1;
	[sflag:s0] =	ssyncset.done @!p0 $0x0  }
0x11a: {  	[sflag:s0] =	ssyncadd.s32 @!p0 s1  }
0x11b: {  	[bflag:$0x3] =	sbarrier.arrive $0xFFFF  }
0x11c: {  	_ =	shalt  }

</sc_bundles>
